<compile_context>
chip_gen: v7x
topology: tpu7x:2x2x1
jax: 0.10.2.dev20260603
libtpu: 0.0.44.dev20260713+nightly
codegen_flags: <defaults>
</compile_context>

<pallas_src>
import functools

import jax
import jax.numpy as jnp
from jax import lax
from jax.experimental import pallas as pl
from jax.experimental.pallas import tpu as pltpu
from jax.experimental.pallas import tpu_sc as plsc

NC = 2
NS = 16
NW = NC * NS
IW = 128
DP = 56
HC = 512


@functools.cache
def _build(V, N):
    ROWS = N // IW
    BLOCKS = ROWS // 8
    BPW = BLOCKS // NW

    mesh = plsc.VectorSubcoreMesh(core_axis_name="c", subcore_axis_name="s")

    @functools.partial(
        pl.kernel,
        mesh=mesh,
        compiler_params=pltpu.CompilerParams(
            use_tc_tiling_on_sc=False, needs_layout_passes=False),
        out_type=jax.ShapeDtypeStruct((50, BLOCKS, 1024), jnp.float32),
        scratch_types=[
            pltpu.VMEM((4, IW), jnp.int32),
            pltpu.VMEM((4, IW), jnp.int32),
            pltpu.VMEM((HC, DP), jnp.float32),
            pltpu.VMEM((HC, DP), jnp.float32),
            pltpu.VMEM((DP, HC), jnp.float32),
            pltpu.VMEM((DP, HC), jnp.float32),
            pltpu.SemaphoreType.DMA,
            pltpu.SemaphoreType.DMA,
            pltpu.SemaphoreType.DMA,
            pltpu.SemaphoreType.DMA,
        ],
    )
    def emb(table_hbm, idx_hbm, out_hbm,
            idx0, idx1, buf0, buf1, tr0, tr1, gs0, gs1, ws0, ws1):
        wid = lax.axis_index("s") * NC + lax.axis_index("c")
        c0 = wid * BPW

        iota = lax.iota(jnp.int32, 16)
        rvecs, cvecs = [], []
        for k in range(7):
            pk = iota + (k * 16)
            rv = jnp.where(pk >= DP, 1, 0).astype(jnp.int32)
            rvecs.append(rv)
            cvecs.append(pk - rv * DP)

        def transpose_half(buf, tr):
            @plsc.parallel_loop(0, HC // 2, 1, unroll=4)
            def tbody(rp):
                r2 = jnp.full((16,), 2 * rp, jnp.int32)
                for k in range(7):
                    rv = rvecs[k] + r2
                    vals = plsc.load_gather(buf, [rv, cvecs[k]])
                    plsc.store_scatter(tr, [cvecs[k], rv], vals)

        def gathers(c, h, idxb, buf, sem):
            pltpu.sync_copy(idx_hbm.at[pl.ds(c * 8 + h * 4, 4)], idxb)
            return [pltpu.async_copy(
                        table_hbm.at[idxb.at[g]],
                        buf.at[pl.ds(g * IW, IW)], sem)
                    for g in range(4)]

        def body(j, carry):
            c = c0 + j
            cp0 = gathers(c, 0, idx0, buf0, gs0)
            cp1 = gathers(c, 1, idx1, buf1, gs1)
            for h, (cps, buf, tr, wsem) in enumerate(
                    ((cp0, buf0, tr0, ws0), (cp1, buf1, tr1, ws1))):
                for cp in cps:
                    cp.wait()
                transpose_half(buf, tr)
                pltpu.sync_copy(
                    tr.at[pl.ds(0, 50)],
                    out_hbm.at[pl.ds(0, 50), c, pl.ds(h * HC, HC)])
            return carry

        lax.fori_loop(0, BPW, body, 0)

    return emb


def kernel(word, table):
    B, L = word.shape
    V, D = table.shape
    N = B * L
    w5 = word.T.reshape(L // 8, 8, B // IW, IW).transpose(0, 2, 1, 3)
    idx = w5.reshape(N // IW, IW)
    table_p = jnp.pad(table, ((0, 0), (0, DP - D)))
    out = _build(V, N)(table_p, idx)
    out5 = out.reshape(D, L // 8, B // IW, 8, IW)
    return out5.transpose(2, 4, 1, 3, 0).reshape(B, L, D)

# --- scband reference (transcript-rebuilt; emitter-appended) ---
"""Pipeline reference for scband-embedding-61529701482809 (READ-ONLY COPY).

The authoritative reference and input builder live on the scoring server;
editing this copy changes nothing except your own understanding.
"""

import jax, jax.numpy as jnp
import numpy as np

VOCAB = 100000
EMBED_DIM = 50
BATCH = 4096
SEQ = 200
PAD_IDX = VOCAB - 1


def setup_inputs(seed: int = 0) -> dict:
    key = jax.random.key(seed)
    k1, k2 = jax.random.split(key)
    word = jax.random.randint(k1, (BATCH, SEQ), 0, VOCAB, dtype=jnp.int32)
    # word_vec_mat: pretrained word vectors copied into the embedding table
    table = jax.random.normal(k2, (VOCAB, EMBED_DIM), dtype=jnp.float32) * 0.1
    return {"word": word, "table": table}


def reference(word, table):
    # nn.Embedding lookup: gather rows of table by word indices
    emb = jnp.take(table, word, axis=0)  # [B, L, D]
    # torch.cat([...], 2) with a single element is identity on axis 2
    x = jnp.concatenate([emb], axis=2)
    return x

if __name__ == "__main__":
    import jax
    _d = setup_inputs()
    print(jax.jit(kernel)(*tuple(_d.values())))

</pallas_src>

<mosaic_0001>
#map = affine_map<(d0, d1) -> (0, 0)>
#map1 = affine_map<(d0, d1) -> (0, 0, 0)>
module attributes {stable_mosaic.version = 14 : i64} {
  func.func @emb(%arg0: i32, %arg1: i32, %arg2: memref<100000x56xf32, #tpu.memory_space<hbm>>, %arg3: memref<6400x128xi32, #tpu.memory_space<hbm>>, %arg4: memref<50x800x1024xf32, #tpu.memory_space<hbm>>, %arg5: memref<4x128xi32, #tpu.memory_space<vmem>>, %arg6: memref<4x128xi32, #tpu.memory_space<vmem>>, %arg7: memref<512x56xf32, #tpu.memory_space<vmem>>, %arg8: memref<512x56xf32, #tpu.memory_space<vmem>>, %arg9: memref<56x512xf32, #tpu.memory_space<vmem>>, %arg10: memref<56x512xf32, #tpu.memory_space<vmem>>, %arg11: memref<!tpu.dma_semaphore, #tpu.memory_space<semaphore_mem>>, %arg12: memref<!tpu.dma_semaphore, #tpu.memory_space<semaphore_mem>>, %arg13: memref<!tpu.dma_semaphore, #tpu.memory_space<semaphore_mem>>, %arg14: memref<!tpu.dma_semaphore, #tpu.memory_space<semaphore_mem>>) attributes {dimension_semantics = [#tpu.dimension_semantics<core_parallel>, #tpu.dimension_semantics<subcore_parallel>], iteration_bounds = array<i64: 2, 16>, scalar_prefetch = 0 : i64, scratch_operands = 10 : i64, tpu.core_type = #tpu.core_type<sc_vector_subcore>, window_params = [{transform_indices = #map}, {transform_indices = #map}, {transform_indices = #map1}]} {
    %mul3A = arith.constant 2 : i32
    %mul3A_0 = arith.muli %arg1, %mul3A : i32
    %add3A = arith.addi %mul3A_0, %arg0 : i32
    %mul3A_1 = arith.constant 25 : i32
    %mul3A_2 = arith.muli %add3A, %mul3A_1 : i32
    %iota3A = tpu.iota {dimensions = array<i32: 0>} : vector<16xi32>
    %add3A_3 = arith.constant 0 : i32
    %add3A_4 = vector.broadcast %add3A_3 : i32 to vector<16xi32>
    %add3A_5 = arith.addi %iota3A, %add3A_4 : vector<16xi32>
    %ge3A = arith.constant 56 : i32
    %ge3A_6 = vector.broadcast %ge3A : i32 to vector<16xi32>
    %ge3A_7 = arith.cmpi sge, %add3A_5, %ge3A_6 : vector<16xi32>
    %jit3A = arith.constant 1 : i32
    %jit3A_8 = arith.constant 0 : i32
    %broadcast_in_dim3A = vector.broadcast %jit3A : i32 to vector<16xi32>
    %broadcast_in_dim3A_9 = vector.broadcast %jit3A_8 : i32 to vector<16xi32>
    %select_n3A = arith.select %ge3A_7, %broadcast_in_dim3A, %broadcast_in_dim3A_9 : vector<16xi1>, vector<16xi32>
    %mul3A_10 = arith.constant 56 : i32
    %mul3A_11 = vector.broadcast %mul3A_10 : i32 to vector<16xi32>
    %mul3A_12 = arith.muli %select_n3A, %mul3A_11 : vector<16xi32>
    %sub3A = arith.subi %add3A_5, %mul3A_12 : vector<16xi32>
    %add3A_13 = arith.constant 16 : i32
    %add3A_14 = vector.broadcast %add3A_13 : i32 to vector<16xi32>
    %add3A_15 = arith.addi %iota3A, %add3A_14 : vector<16xi32>
    %ge3A_16 = arith.constant 56 : i32
    %ge3A_17 = vector.broadcast %ge3A_16 : i32 to vector<16xi32>
    %ge3A_18 = arith.cmpi sge, %add3A_15, %ge3A_17 : vector<16xi32>
    %jit3A_19 = arith.constant 1 : i32
    %jit3A_20 = arith.constant 0 : i32
    %broadcast_in_dim3A_21 = vector.broadcast %jit3A_19 : i32 to vector<16xi32>
    %broadcast_in_dim3A_22 = vector.broadcast %jit3A_20 : i32 to vector<16xi32>
    %select_n3A_23 = arith.select %ge3A_18, %broadcast_in_dim3A_21, %broadcast_in_dim3A_22 : vector<16xi1>, vector<16xi32>
    %mul3A_24 = arith.constant 56 : i32
    %mul3A_25 = vector.broadcast %mul3A_24 : i32 to vector<16xi32>
    %mul3A_26 = arith.muli %select_n3A_23, %mul3A_25 : vector<16xi32>
    %sub3A_27 = arith.subi %add3A_15, %mul3A_26 : vector<16xi32>
    %add3A_28 = arith.constant 32 : i32
    %add3A_29 = vector.broadcast %add3A_28 : i32 to vector<16xi32>
    %add3A_30 = arith.addi %iota3A, %add3A_29 : vector<16xi32>
    %ge3A_31 = arith.constant 56 : i32
    %ge3A_32 = vector.broadcast %ge3A_31 : i32 to vector<16xi32>
    %ge3A_33 = arith.cmpi sge, %add3A_30, %ge3A_32 : vector<16xi32>
    %jit3A_34 = arith.constant 1 : i32
    %jit3A_35 = arith.constant 0 : i32
    %broadcast_in_dim3A_36 = vector.broadcast %jit3A_34 : i32 to vector<16xi32>
    %broadcast_in_dim3A_37 = vector.broadcast %jit3A_35 : i32 to vector<16xi32>
    %select_n3A_38 = arith.select %ge3A_33, %broadcast_in_dim3A_36, %broadcast_in_dim3A_37 : vector<16xi1>, vector<16xi32>
    %mul3A_39 = arith.constant 56 : i32
    %mul3A_40 = vector.broadcast %mul3A_39 : i32 to vector<16xi32>
    %mul3A_41 = arith.muli %select_n3A_38, %mul3A_40 : vector<16xi32>
    %sub3A_42 = arith.subi %add3A_30, %mul3A_41 : vector<16xi32>
    %add3A_43 = arith.constant 48 : i32
    %add3A_44 = vector.broadcast %add3A_43 : i32 to vector<16xi32>
    %add3A_45 = arith.addi %iota3A, %add3A_44 : vector<16xi32>
    %ge3A_46 = arith.constant 56 : i32
    %ge3A_47 = vector.broadcast %ge3A_46 : i32 to vector<16xi32>
    %ge3A_48 = arith.cmpi sge, %add3A_45, %ge3A_47 : vector<16xi32>
    %jit3A_49 = arith.constant 1 : i32
    %jit3A_50 = arith.constant 0 : i32
    %broadcast_in_dim3A_51 = vector.broadcast %jit3A_49 : i32 to vector<16xi32>
    %broadcast_in_dim3A_52 = vector.broadcast %jit3A_50 : i32 to vector<16xi32>
    %select_n3A_53 = arith.select %ge3A_48, %broadcast_in_dim3A_51, %broadcast_in_dim3A_52 : vector<16xi1>, vector<16xi32>
    %mul3A_54 = arith.constant 56 : i32
    %mul3A_55 = vector.broadcast %mul3A_54 : i32 to vector<16xi32>
    %mul3A_56 = arith.muli %select_n3A_53, %mul3A_55 : vector<16xi32>
    %sub3A_57 = arith.subi %add3A_45, %mul3A_56 : vector<16xi32>
    %add3A_58 = arith.constant 64 : i32
    %add3A_59 = vector.broadcast %add3A_58 : i32 to vector<16xi32>
    %add3A_60 = arith.addi %iota3A, %add3A_59 : vector<16xi32>
    %ge3A_61 = arith.constant 56 : i32
    %ge3A_62 = vector.broadcast %ge3A_61 : i32 to vector<16xi32>
    %ge3A_63 = arith.cmpi sge, %add3A_60, %ge3A_62 : vector<16xi32>
    %jit3A_64 = arith.constant 1 : i32
    %jit3A_65 = arith.constant 0 : i32
    %broadcast_in_dim3A_66 = vector.broadcast %jit3A_64 : i32 to vector<16xi32>
    %broadcast_in_dim3A_67 = vector.broadcast %jit3A_65 : i32 to vector<16xi32>
    %select_n3A_68 = arith.select %ge3A_63, %broadcast_in_dim3A_66, %broadcast_in_dim3A_67 : vector<16xi1>, vector<16xi32>
    %mul3A_69 = arith.constant 56 : i32
    %mul3A_70 = vector.broadcast %mul3A_69 : i32 to vector<16xi32>
    %mul3A_71 = arith.muli %select_n3A_68, %mul3A_70 : vector<16xi32>
    %sub3A_72 = arith.subi %add3A_60, %mul3A_71 : vector<16xi32>
    %add3A_73 = arith.constant 80 : i32
    %add3A_74 = vector.broadcast %add3A_73 : i32 to vector<16xi32>
    %add3A_75 = arith.addi %iota3A, %add3A_74 : vector<16xi32>
    %ge3A_76 = arith.constant 56 : i32
    %ge3A_77 = vector.broadcast %ge3A_76 : i32 to vector<16xi32>
    %ge3A_78 = arith.cmpi sge, %add3A_75, %ge3A_77 : vector<16xi32>
    %jit3A_79 = arith.constant 1 : i32
    %jit3A_80 = arith.constant 0 : i32
    %broadcast_in_dim3A_81 = vector.broadcast %jit3A_79 : i32 to vector<16xi32>
    %broadcast_in_dim3A_82 = vector.broadcast %jit3A_80 : i32 to vector<16xi32>
    %select_n3A_83 = arith.select %ge3A_78, %broadcast_in_dim3A_81, %broadcast_in_dim3A_82 : vector<16xi1>, vector<16xi32>
    %mul3A_84 = arith.constant 56 : i32
    %mul3A_85 = vector.broadcast %mul3A_84 : i32 to vector<16xi32>
    %mul3A_86 = arith.muli %select_n3A_83, %mul3A_85 : vector<16xi32>
    %sub3A_87 = arith.subi %add3A_75, %mul3A_86 : vector<16xi32>
    %add3A_88 = arith.constant 96 : i32
    %add3A_89 = vector.broadcast %add3A_88 : i32 to vector<16xi32>
    %add3A_90 = arith.addi %iota3A, %add3A_89 : vector<16xi32>
    %ge3A_91 = arith.constant 56 : i32
    %ge3A_92 = vector.broadcast %ge3A_91 : i32 to vector<16xi32>
    %ge3A_93 = arith.cmpi sge, %add3A_90, %ge3A_92 : vector<16xi32>
    %jit3A_94 = arith.constant 1 : i32
    %jit3A_95 = arith.constant 0 : i32
    %broadcast_in_dim3A_96 = vector.broadcast %jit3A_94 : i32 to vector<16xi32>
    %broadcast_in_dim3A_97 = vector.broadcast %jit3A_95 : i32 to vector<16xi32>
    %select_n3A_98 = arith.select %ge3A_93, %broadcast_in_dim3A_96, %broadcast_in_dim3A_97 : vector<16xi1>, vector<16xi32>
    %mul3A_99 = arith.constant 56 : i32
    %mul3A_100 = vector.broadcast %mul3A_99 : i32 to vector<16xi32>
    %mul3A_101 = arith.muli %select_n3A_98, %mul3A_100 : vector<16xi32>
    %sub3A_102 = arith.subi %add3A_90, %mul3A_101 : vector<16xi32>
    %scan3A = arith.constant 0 : i32
    %scan3A_103 = arith.constant 0 : i32
    %scan3A_104 = arith.constant 25 : i32
    %scan3A_105 = arith.addi %scan3A_103, %scan3A_104 : i32
    %scan3A_106 = arith.constant 1 : i32
    scf.for %scan3A_108 = %scan3A_103 to %scan3A_105 step %scan3A_106  : i32 {
      %add3A_109 = arith.addi %mul3A_2, %scan3A_108 : i32
      %mul3A_110 = arith.constant 8 : i32
      %mul3A_111 = arith.muli %add3A_109, %mul3A_110 : i32
      %add3A_112 = arith.constant 0 : i32
      %add3A_113 = arith.addi %mul3A_111, %add3A_112 : i32
      "tpu.region"() ({
        %run_scoped3A = tpu.sem_alloc : memref<!tpu.dma_semaphore, #tpu.memory_space<semaphore_mem>>
        %dma_start3A_281 = arith.constant 0 : i32
        %dma_start3A_282 = tpu.memref_slice %arg3[%add3A_113, %dma_start3A_281] : memref<6400x128xi32, #tpu.memory_space<hbm>> -> memref<4x128xi32, #tpu.memory_space<hbm>>
        %dma_start3A_283 = arith.constant 0 : i32
        %dma_start3A_284 = tpu.memref_slice %arg3[%add3A_113, %dma_start3A_283] : memref<6400x128xi32, #tpu.memory_space<hbm>> -> memref<4x128xi32, #tpu.memory_space<hbm>>
        tpu.enqueue_dma source(%dma_start3A_284 : memref<4x128xi32, #tpu.memory_space<hbm>>) target(%arg5 : memref<4x128xi32, #tpu.memory_space<vmem>>) target_semaphore(%run_scoped3A : memref<!tpu.dma_semaphore, #tpu.memory_space<semaphore_mem>>)
        %dma_wait3A_285 = arith.constant 0 : i32
        %dma_wait3A_286 = tpu.memref_slice %arg3[%add3A_113, %dma_wait3A_285] : memref<6400x128xi32, #tpu.memory_space<hbm>> -> memref<4x128xi32, #tpu.memory_space<hbm>>
        %dma_wait3A_287 = arith.constant 0 : i32
        %dma_wait3A_288 = tpu.memref_slice %arg3[%add3A_113, %dma_wait3A_287] : memref<6400x128xi32, #tpu.memory_space<hbm>> -> memref<4x128xi32, #tpu.memory_space<hbm>>
        tpu.wait_dma2 semaphore(%run_scoped3A : memref<!tpu.dma_semaphore, #tpu.memory_space<semaphore_mem>>) src(%dma_wait3A_288 : memref<4x128xi32, #tpu.memory_space<hbm>>) dst(%arg5 : memref<4x128xi32, #tpu.memory_space<vmem>>)
        tpu.yield
      }) : () -> ()
      %dma_start3A = arith.constant 0 : i32
      %dma_start3A_114 = arith.constant 0 : i32
      %dma_start3A_115 = arith.constant 0 : i32
      %dma_start3A_116 = tpu.memref_slice %arg7[%dma_start3A_114, %dma_start3A_115] : memref<512x56xf32, #tpu.memory_space<vmem>> -> memref<128x56xf32, #tpu.memory_space<vmem>>
      %dma_start3A_117 = arith.constant 0 : i32
      %dma_start3A_118 = tpu.memref_slice %arg5[%dma_start3A, %dma_start3A_117] : memref<4x128xi32, #tpu.memory_space<vmem>> -> memref<1x128xi32, #tpu.memory_space<vmem>>
      %dma_start3A_119 = tpu.memref_squeeze %dma_start3A_118 : memref<1x128xi32, #tpu.memory_space<vmem>> -> memref<128xi32, #tpu.memory_space<vmem>>
      %dma_start3A_120 = arith.constant 0 : i32
      %dma_start3A_121 = arith.constant 0 : i32
      %dma_start3A_122 = tpu.memref_slice %arg2[%dma_start3A_120, %dma_start3A_121] : memref<100000x56xf32, #tpu.memory_space<hbm>> -> memref<100000x56xf32, #tpu.memory_space<hbm>>
      tpu.enqueue_indirect_dma source(%dma_start3A_122 : memref<100000x56xf32, #tpu.memory_space<hbm>>) target(%dma_start3A_116 : memref<128x56xf32, #tpu.memory_space<vmem>>) offsets(%dma_start3A_119 : memref<128xi32, #tpu.memory_space<vmem>>) semaphore(%arg11 : memref<!tpu.dma_semaphore, #tpu.memory_space<semaphore_mem>>)
      %dma_start3A_123 = arith.constant 1 : i32
      %dma_start3A_124 = arith.constant 128 : i32
      %dma_start3A_125 = arith.constant 0 : i32
      %dma_start3A_126 = tpu.memref_slice %arg7[%dma_start3A_124, %dma_start3A_125] : memref<512x56xf32, #tpu.memory_space<vmem>> -> memref<128x56xf32, #tpu.memory_space<vmem>>
      %dma_start3A_127 = arith.constant 0 : i32
      %dma_start3A_128 = tpu.memref_slice %arg5[%dma_start3A_123, %dma_start3A_127] : memref<4x128xi32, #tpu.memory_space<vmem>> -> memref<1x128xi32, #tpu.memory_space<vmem>>
      %dma_start3A_129 = tpu.memref_squeeze %dma_start3A_128 : memref<1x128xi32, #tpu.memory_space<vmem>> -> memref<128xi32, #tpu.memory_space<vmem>>
      %dma_start3A_130 = arith.constant 0 : i32
      %dma_start3A_131 = arith.constant 0 : i32
      %dma_start3A_132 = tpu.memref_slice %arg2[%dma_start3A_130, %dma_start3A_131] : memref<100000x56xf32, #tpu.memory_space<hbm>> -> memref<100000x56xf32, #tpu.memory_space<hbm>>
      tpu.enqueue_indirect_dma source(%dma_start3A_132 : memref<100000x56xf32, #tpu.memory_space<hbm>>) target(%dma_start3A_126 : memref<128x56xf32, #tpu.memory_space<vmem>>) offsets(%dma_start3A_129 : memref<128xi32, #tpu.memory_space<vmem>>) semaphore(%arg11 : memref<!tpu.dma_semaphore, #tpu.memory_space<semaphore_mem>>)
      %dma_start3A_133 = arith.constant 2 : i32
      %dma_start3A_134 = arith.constant 256 : i32
      %dma_start3A_135 = arith.constant 0 : i32
      %dma_start3A_136 = tpu.memref_slice %arg7[%dma_start3A_134, %dma_start3A_135] : memref<512x56xf32, #tpu.memory_space<vmem>> -> memref<128x56xf32, #tpu.memory_space<vmem>>
      %dma_start3A_137 = arith.constant 0 : i32
      %dma_start3A_138 = tpu.memref_slice %arg5[%dma_start3A_133, %dma_start3A_137] : memref<4x128xi32, #tpu.memory_space<vmem>> -> memref<1x128xi32, #tpu.memory_space<vmem>>
      %dma_start3A_139 = tpu.memref_squeeze %dma_start3A_138 : memref<1x128xi32, #tpu.memory_space<vmem>> -> memref<128xi32, #tpu.memory_space<vmem>>
      %dma_start3A_140 = arith.constant 0 : i32
      %dma_start3A_141 = arith.constant 0 : i32
      %dma_start3A_142 = tpu.memref_slice %arg2[%dma_start3A_140, %dma_start3A_141] : memref<100000x56xf32, #tpu.memory_space<hbm>> -> memref<100000x56xf32, #tpu.memory_space<hbm>>
      tpu.enqueue_indirect_dma source(%dma_start3A_142 : memref<100000x56xf32, #tpu.memory_space<hbm>>) target(%dma_start3A_136 : memref<128x56xf32, #tpu.memory_space<vmem>>) offsets(%dma_start3A_139 : memref<128xi32, #tpu.memory_space<vmem>>) semaphore(%arg11 : memref<!tpu.dma_semaphore, #tpu.memory_space<semaphore_mem>>)
      %dma_start3A_143 = arith.constant 3 : i32
      %dma_start3A_144 = arith.constant 384 : i32
      %dma_start3A_145 = arith.constant 0 : i32
      %dma_start3A_146 = tpu.memref_slice %arg7[%dma_start3A_144, %dma_start3A_145] : memref<512x56xf32, #tpu.memory_space<vmem>> -> memref<128x56xf32, #tpu.memory_space<vmem>>
      %dma_start3A_147 = arith.constant 0 : i32
      %dma_start3A_148 = tpu.memref_slice %arg5[%dma_start3A_143, %dma_start3A_147] : memref<4x128xi32, #tpu.memory_space<vmem>> -> memref<1x128xi32, #tpu.memory_space<vmem>>
      %dma_start3A_149 = tpu.memref_squeeze %dma_start3A_148 : memref<1x128xi32, #tpu.memory_space<vmem>> -> memref<128xi32, #tpu.memory_space<vmem>>
      %dma_start3A_150 = arith.constant 0 : i32
      %dma_start3A_151 = arith.constant 0 : i32
      %dma_start3A_152 = tpu.memref_slice %arg2[%dma_start3A_150, %dma_start3A_151] : memref<100000x56xf32, #tpu.memory_space<hbm>> -> memref<100000x56xf32, #tpu.memory_space<hbm>>
      tpu.enqueue_indirect_dma source(%dma_start3A_152 : memref<100000x56xf32, #tpu.memory_space<hbm>>) target(%dma_start3A_146 : memref<128x56xf32, #tpu.memory_space<vmem>>) offsets(%dma_start3A_149 : memref<128xi32, #tpu.memory_space<vmem>>) semaphore(%arg11 : memref<!tpu.dma_semaphore, #tpu.memory_space<semaphore_mem>>)
      %mul3A_153 = arith.constant 8 : i32
      %mul3A_154 = arith.muli %add3A_109, %mul3A_153 : i32
      %add3A_155 = arith.constant 4 : i32
      %add3A_156 = arith.addi %mul3A_154, %add3A_155 : i32
      "tpu.region"() ({
        %run_scoped3A = tpu.sem_alloc : memref<!tpu.dma_semaphore, #tpu.memory_space<semaphore_mem>>
        %dma_start3A_281 = arith.constant 0 : i32
        %dma_start3A_282 = tpu.memref_slice %arg3[%add3A_156, %dma_start3A_281] : memref<6400x128xi32, #tpu.memory_space<hbm>> -> memref<4x128xi32, #tpu.memory_space<hbm>>
        %dma_start3A_283 = arith.constant 0 : i32
        %dma_start3A_284 = tpu.memref_slice %arg3[%add3A_156, %dma_start3A_283] : memref<6400x128xi32, #tpu.memory_space<hbm>> -> memref<4x128xi32, #tpu.memory_space<hbm>>
        tpu.enqueue_dma source(%dma_start3A_284 : memref<4x128xi32, #tpu.memory_space<hbm>>) target(%arg6 : memref<4x128xi32, #tpu.memory_space<vmem>>) target_semaphore(%run_scoped3A : memref<!tpu.dma_semaphore, #tpu.memory_space<semaphore_mem>>)
        %dma_wait3A_285 = arith.constant 0 : i32
        %dma_wait3A_286 = tpu.memref_slice %arg3[%add3A_156, %dma_wait3A_285] : memref<6400x128xi32, #tpu.memory_space<hbm>> -> memref<4x128xi32, #tpu.memory_space<hbm>>
        %dma_wait3A_287 = arith.constant 0 : i32
        %dma_wait3A_288 = tpu.memref_slice %arg3[%add3A_156, %dma_wait3A_287] : memref<6400x128xi32, #tpu.memory_space<hbm>> -> memref<4x128xi32, #tpu.memory_space<hbm>>
        tpu.wait_dma2 semaphore(%run_scoped3A : memref<!tpu.dma_semaphore, #tpu.memory_space<semaphore_mem>>) src(%dma_wait3A_288 : memref<4x128xi32, #tpu.memory_space<hbm>>) dst(%arg6 : memref<4x128xi32, #tpu.memory_space<vmem>>)
        tpu.yield
      }) : () -> ()
      %dma_start3A_157 = arith.constant 0 : i32
      %dma_start3A_158 = arith.constant 0 : i32
      %dma_start3A_159 = arith.constant 0 : i32
      %dma_start3A_160 = tpu.memref_slice %arg8[%dma_start3A_158, %dma_start3A_159] : memref<512x56xf32, #tpu.memory_space<vmem>> -> memref<128x56xf32, #tpu.memory_space<vmem>>
      %dma_start3A_161 = arith.constant 0 : i32
      %dma_start3A_162 = tpu.memref_slice %arg6[%dma_start3A_157, %dma_start3A_161] : memref<4x128xi32, #tpu.memory_space<vmem>> -> memref<1x128xi32, #tpu.memory_space<vmem>>
      %dma_start3A_163 = tpu.memref_squeeze %dma_start3A_162 : memref<1x128xi32, #tpu.memory_space<vmem>> -> memref<128xi32, #tpu.memory_space<vmem>>
      %dma_start3A_164 = arith.constant 0 : i32
      %dma_start3A_165 = arith.constant 0 : i32
      %dma_start3A_166 = tpu.memref_slice %arg2[%dma_start3A_164, %dma_start3A_165] : memref<100000x56xf32, #tpu.memory_space<hbm>> -> memref<100000x56xf32, #tpu.memory_space<hbm>>
      tpu.enqueue_indirect_dma source(%dma_start3A_166 : memref<100000x56xf32, #tpu.memory_space<hbm>>) target(%dma_start3A_160 : memref<128x56xf32, #tpu.memory_space<vmem>>) offsets(%dma_start3A_163 : memref<128xi32, #tpu.memory_space<vmem>>) semaphore(%arg12 : memref<!tpu.dma_semaphore, #tpu.memory_space<semaphore_mem>>)
      %dma_start3A_167 = arith.constant 1 : i32
      %dma_start3A_168 = arith.constant 128 : i32
      %dma_start3A_169 = arith.constant 0 : i32
      %dma_start3A_170 = tpu.memref_slice %arg8[%dma_start3A_168, %dma_start3A_169] : memref<512x56xf32, #tpu.memory_space<vmem>> -> memref<128x56xf32, #tpu.memory_space<vmem>>
      %dma_start3A_171 = arith.constant 0 : i32
      %dma_start3A_172 = tpu.memref_slice %arg6[%dma_start3A_167, %dma_start3A_171] : memref<4x128xi32, #tpu.memory_space<vmem>> -> memref<1x128xi32, #tpu.memory_space<vmem>>
      %dma_start3A_173 = tpu.memref_squeeze %dma_start3A_172 : memref<1x128xi32, #tpu.memory_space<vmem>> -> memref<128xi32, #tpu.memory_space<vmem>>
      %dma_start3A_174 = arith.constant 0 : i32
      %dma_start3A_175 = arith.constant 0 : i32
      %dma_start3A_176 = tpu.memref_slice %arg2[%dma_start3A_174, %dma_start3A_175] : memref<100000x56xf32, #tpu.memory_space<hbm>> -> memref<100000x56xf32, #tpu.memory_space<hbm>>
      tpu.enqueue_indirect_dma source(%dma_start3A_176 : memref<100000x56xf32, #tpu.memory_space<hbm>>) target(%dma_start3A_170 : memref<128x56xf32, #tpu.memory_space<vmem>>) offsets(%dma_start3A_173 : memref<128xi32, #tpu.memory_space<vmem>>) semaphore(%arg12 : memref<!tpu.dma_semaphore, #tpu.memory_space<semaphore_mem>>)
      %dma_start3A_177 = arith.constant 2 : i32
      %dma_start3A_178 = arith.constant 256 : i32
      %dma_start3A_179 = arith.constant 0 : i32
      %dma_start3A_180 = tpu.memref_slice %arg8[%dma_start3A_178, %dma_start3A_179] : memref<512x56xf32, #tpu.memory_space<vmem>> -> memref<128x56xf32, #tpu.memory_space<vmem>>
      %dma_start3A_181 = arith.constant 0 : i32
      %dma_start3A_182 = tpu.memref_slice %arg6[%dma_start3A_177, %dma_start3A_181] : memref<4x128xi32, #tpu.memory_space<vmem>> -> memref<1x128xi32, #tpu.memory_space<vmem>>
      %dma_start3A_183 = tpu.memref_squeeze %dma_start3A_182 : memref<1x128xi32, #tpu.memory_space<vmem>> -> memref<128xi32, #tpu.memory_space<vmem>>
      %dma_start3A_184 = arith.constant 0 : i32
      %dma_start3A_185 = arith.constant 0 : i32
      %dma_start3A_186 = tpu.memref_slice %arg2[%dma_start3A_184, %dma_start3A_185] : memref<100000x56xf32, #tpu.memory_space<hbm>> -> memref<100000x56xf32, #tpu.memory_space<hbm>>
      tpu.enqueue_indirect_dma source(%dma_start3A_186 : memref<100000x56xf32, #tpu.memory_space<hbm>>) target(%dma_start3A_180 : memref<128x56xf32, #tpu.memory_space<vmem>>) offsets(%dma_start3A_183 : memref<128xi32, #tpu.memory_space<vmem>>) semaphore(%arg12 : memref<!tpu.dma_semaphore, #tpu.memory_space<semaphore_mem>>)
      %dma_start3A_187 = arith.constant 3 : i32
      %dma_start3A_188 = arith.constant 384 : i32
      %dma_start3A_189 = arith.constant 0 : i32
      %dma_start3A_190 = tpu.memref_slice %arg8[%dma_start3A_188, %dma_start3A_189] : memref<512x56xf32, #tpu.memory_space<vmem>> -> memref<128x56xf32, #tpu.memory_space<vmem>>
      %dma_start3A_191 = arith.constant 0 : i32
      %dma_start3A_192 = tpu.memref_slice %arg6[%dma_start3A_187, %dma_start3A_191] : memref<4x128xi32, #tpu.memory_space<vmem>> -> memref<1x128xi32, #tpu.memory_space<vmem>>
      %dma_start3A_193 = tpu.memref_squeeze %dma_start3A_192 : memref<1x128xi32, #tpu.memory_space<vmem>> -> memref<128xi32, #tpu.memory_space<vmem>>
      %dma_start3A_194 = arith.constant 0 : i32
      %dma_start3A_195 = arith.constant 0 : i32
      %dma_start3A_196 = tpu.memref_slice %arg2[%dma_start3A_194, %dma_start3A_195] : memref<100000x56xf32, #tpu.memory_space<hbm>> -> memref<100000x56xf32, #tpu.memory_space<hbm>>
      tpu.enqueue_indirect_dma source(%dma_start3A_196 : memref<100000x56xf32, #tpu.memory_space<hbm>>) target(%dma_start3A_190 : memref<128x56xf32, #tpu.memory_space<vmem>>) offsets(%dma_start3A_193 : memref<128xi32, #tpu.memory_space<vmem>>) semaphore(%arg12 : memref<!tpu.dma_semaphore, #tpu.memory_space<semaphore_mem>>)
      %dma_wait3A = arith.constant 0 : i32
      %dma_wait3A_197 = arith.constant 0 : i32
      %dma_wait3A_198 = arith.constant 0 : i32
      %dma_wait3A_199 = tpu.memref_slice %arg7[%dma_wait3A_197, %dma_wait3A_198] : memref<512x56xf32, #tpu.memory_space<vmem>> -> memref<128x56xf32, #tpu.memory_space<vmem>>
      %dma_wait3A_200 = arith.constant 0 : i32
      %dma_wait3A_201 = tpu.memref_slice %arg5[%dma_wait3A, %dma_wait3A_200] : memref<4x128xi32, #tpu.memory_space<vmem>> -> memref<1x128xi32, #tpu.memory_space<vmem>>
      %dma_wait3A_202 = tpu.memref_squeeze %dma_wait3A_201 : memref<1x128xi32, #tpu.memory_space<vmem>> -> memref<128xi32, #tpu.memory_space<vmem>>
      %dma_wait3A_203 = arith.constant 0 : i32
      %dma_wait3A_204 = arith.constant 0 : i32
      %dma_wait3A_205 = tpu.memref_slice %arg2[%dma_wait3A_203, %dma_wait3A_204] : memref<100000x56xf32, #tpu.memory_space<hbm>> -> memref<100000x56xf32, #tpu.memory_space<hbm>>
      tpu.wait_indirect_dma semaphore(%arg11 : memref<!tpu.dma_semaphore, #tpu.memory_space<semaphore_mem>>) src(%dma_wait3A_205 : memref<100000x56xf32, #tpu.memory_space<hbm>>) dst(%dma_wait3A_199 : memref<128x56xf32, #tpu.memory_space<vmem>>)
      %dma_wait3A_206 = arith.constant 1 : i32
      %dma_wait3A_207 = arith.constant 128 : i32
      %dma_wait3A_208 = arith.constant 0 : i32
      %dma_wait3A_209 = tpu.memref_slice %arg7[%dma_wait3A_207, %dma_wait3A_208] : memref<512x56xf32, #tpu.memory_space<vmem>> -> memref<128x56xf32, #tpu.memory_space<vmem>>
      %dma_wait3A_210 = arith.constant 0 : i32
      %dma_wait3A_211 = tpu.memref_slice %arg5[%dma_wait3A_206, %dma_wait3A_210] : memref<4x128xi32, #tpu.memory_space<vmem>> -> memref<1x128xi32, #tpu.memory_space<vmem>>
      %dma_wait3A_212 = tpu.memref_squeeze %dma_wait3A_211 : memref<1x128xi32, #tpu.memory_space<vmem>> -> memref<128xi32, #tpu.memory_space<vmem>>
      %dma_wait3A_213 = arith.constant 0 : i32
      %dma_wait3A_214 = arith.constant 0 : i32
      %dma_wait3A_215 = tpu.memref_slice %arg2[%dma_wait3A_213, %dma_wait3A_214] : memref<100000x56xf32, #tpu.memory_space<hbm>> -> memref<100000x56xf32, #tpu.memory_space<hbm>>
      tpu.wait_indirect_dma semaphore(%arg11 : memref<!tpu.dma_semaphore, #tpu.memory_space<semaphore_mem>>) src(%dma_wait3A_215 : memref<100000x56xf32, #tpu.memory_space<hbm>>) dst(%dma_wait3A_209 : memref<128x56xf32, #tpu.memory_space<vmem>>)
      %dma_wait3A_216 = arith.constant 2 : i32
      %dma_wait3A_217 = arith.constant 256 : i32
      %dma_wait3A_218 = arith.constant 0 : i32
      %dma_wait3A_219 = tpu.memref_slice %arg7[%dma_wait3A_217, %dma_wait3A_218] : memref<512x56xf32, #tpu.memory_space<vmem>> -> memref<128x56xf32, #tpu.memory_space<vmem>>
      %dma_wait3A_220 = arith.constant 0 : i32
      %dma_wait3A_221 = tpu.memref_slice %arg5[%dma_wait3A_216, %dma_wait3A_220] : memref<4x128xi32, #tpu.memory_space<vmem>> -> memref<1x128xi32, #tpu.memory_space<vmem>>
      %dma_wait3A_222 = tpu.memref_squeeze %dma_wait3A_221 : memref<1x128xi32, #tpu.memory_space<vmem>> -> memref<128xi32, #tpu.memory_space<vmem>>
      %dma_wait3A_223 = arith.constant 0 : i32
      %dma_wait3A_224 = arith.constant 0 : i32
      %dma_wait3A_225 = tpu.memref_slice %arg2[%dma_wait3A_223, %dma_wait3A_224] : memref<100000x56xf32, #tpu.memory_space<hbm>> -> memref<100000x56xf32, #tpu.memory_space<hbm>>
      tpu.wait_indirect_dma semaphore(%arg11 : memref<!tpu.dma_semaphore, #tpu.memory_space<semaphore_mem>>) src(%dma_wait3A_225 : memref<100000x56xf32, #tpu.memory_space<hbm>>) dst(%dma_wait3A_219 : memref<128x56xf32, #tpu.memory_space<vmem>>)
      %dma_wait3A_226 = arith.constant 3 : i32
      %dma_wait3A_227 = arith.constant 384 : i32
      %dma_wait3A_228 = arith.constant 0 : i32
      %dma_wait3A_229 = tpu.memref_slice %arg7[%dma_wait3A_227, %dma_wait3A_228] : memref<512x56xf32, #tpu.memory_space<vmem>> -> memref<128x56xf32, #tpu.memory_space<vmem>>
      %dma_wait3A_230 = arith.constant 0 : i32
      %dma_wait3A_231 = tpu.memref_slice %arg5[%dma_wait3A_226, %dma_wait3A_230] : memref<4x128xi32, #tpu.memory_space<vmem>> -> memref<1x128xi32, #tpu.memory_space<vmem>>
      %dma_wait3A_232 = tpu.memref_squeeze %dma_wait3A_231 : memref<1x128xi32, #tpu.memory_space<vmem>> -> memref<128xi32, #tpu.memory_space<vmem>>
      %dma_wait3A_233 = arith.constant 0 : i32
      %dma_wait3A_234 = arith.constant 0 : i32
      %dma_wait3A_235 = tpu.memref_slice %arg2[%dma_wait3A_233, %dma_wait3A_234] : memref<100000x56xf32, #tpu.memory_space<hbm>> -> memref<100000x56xf32, #tpu.memory_space<hbm>>
      tpu.wait_indirect_dma semaphore(%arg11 : memref<!tpu.dma_semaphore, #tpu.memory_space<semaphore_mem>>) src(%dma_wait3A_235 : memref<100000x56xf32, #tpu.memory_space<hbm>>) dst(%dma_wait3A_229 : memref<128x56xf32, #tpu.memory_space<vmem>>)
      %parallel_loop3A = arith.constant 0 : i32
      %parallel_loop3A_236 = arith.constant 256 : i32
      %parallel_loop3A_237 = arith.constant 1 : i32
      scf.for %parallel_loop3A_281 = %parallel_loop3A to %parallel_loop3A_236 step %parallel_loop3A_237  : i32 {
        %parallel_loop3A_282 = arith.constant 2 : i32
        %parallel_loop3A_283 = arith.muli %parallel_loop3A_282, %parallel_loop3A_281 : i32
        %parallel_loop3A_284 = vector.broadcast %parallel_loop3A_283 : i32 to vector<16xi32>
        %parallel_loop3A_285 = arith.addi %select_n3A, %parallel_loop3A_284 : vector<16xi32>
        %parallel_loop3A_286 = tpu.vector_load_idx %arg7[%parallel_loop3A_285, %sub3A] : memref<512x56xf32, #tpu.memory_space<vmem>>[vector<16xi32>, vector<16xi32>], vector<16xf32>,
        tpu.vector_store_idx %arg9[%sub3A, %parallel_loop3A_285], %parallel_loop3A_286 : memref<56x512xf32, #tpu.memory_space<vmem>>[vector<16xi32>, vector<16xi32>], vector<16xf32>,
        %parallel_loop3A_287 = arith.addi %select_n3A_23, %parallel_loop3A_284 : vector<16xi32>
        %parallel_loop3A_288 = tpu.vector_load_idx %arg7[%parallel_loop3A_287, %sub3A_27] : memref<512x56xf32, #tpu.memory_space<vmem>>[vector<16xi32>, vector<16xi32>], vector<16xf32>,
        tpu.vector_store_idx %arg9[%sub3A_27, %parallel_loop3A_287], %parallel_loop3A_288 : memref<56x512xf32, #tpu.memory_space<vmem>>[vector<16xi32>, vector<16xi32>], vector<16xf32>,
        %parallel_loop3A_289 = arith.addi %select_n3A_38, %parallel_loop3A_284 : vector<16xi32>
        %parallel_loop3A_290 = tpu.vector_load_idx %arg7[%parallel_loop3A_289, %sub3A_42] : memref<512x56xf32, #tpu.memory_space<vmem>>[vector<16xi32>, vector<16xi32>], vector<16xf32>,
        tpu.vector_store_idx %arg9[%sub3A_42, %parallel_loop3A_289], %parallel_loop3A_290 : memref<56x512xf32, #tpu.memory_space<vmem>>[vector<16xi32>, vector<16xi32>], vector<16xf32>,
        %parallel_loop3A_291 = arith.addi %select_n3A_53, %parallel_loop3A_284 : vector<16xi32>
        %parallel_loop3A_292 = tpu.vector_load_idx %arg7[%parallel_loop3A_291, %sub3A_57] : memref<512x56xf32, #tpu.memory_space<vmem>>[vector<16xi32>, vector<16xi32>], vector<16xf32>,
        tpu.vector_store_idx %arg9[%sub3A_57, %parallel_loop3A_291], %parallel_loop3A_292 : memref<56x512xf32, #tpu.memory_space<vmem>>[vector<16xi32>, vector<16xi32>], vector<16xf32>,
        %parallel_loop3A_293 = arith.addi %select_n3A_68, %parallel_loop3A_284 : vector<16xi32>
        %parallel_loop3A_294 = tpu.vector_load_idx %arg7[%parallel_loop3A_293, %sub3A_72] : memref<512x56xf32, #tpu.memory_space<vmem>>[vector<16xi32>, vector<16xi32>], vector<16xf32>,
        tpu.vector_store_idx %arg9[%sub3A_72, %parallel_loop3A_293], %parallel_loop3A_294 : memref<56x512xf32, #tpu.memory_space<vmem>>[vector<16xi32>, vector<16xi32>], vector<16xf32>,
        %parallel_loop3A_295 = arith.addi %select_n3A_83, %parallel_loop3A_284 : vector<16xi32>
        %parallel_loop3A_296 = tpu.vector_load_idx %arg7[%parallel_loop3A_295, %sub3A_87] : memref<512x56xf32, #tpu.memory_space<vmem>>[vector<16xi32>, vector<16xi32>], vector<16xf32>,
        tpu.vector_store_idx %arg9[%sub3A_87, %parallel_loop3A_295], %parallel_loop3A_296 : memref<56x512xf32, #tpu.memory_space<vmem>>[vector<16xi32>, vector<16xi32>], vector<16xf32>,
        %parallel_loop3A_297 = arith.addi %select_n3A_98, %parallel_loop3A_284 : vector<16xi32>
        %parallel_loop3A_298 = tpu.vector_load_idx %arg7[%parallel_loop3A_297, %sub3A_102] : memref<512x56xf32, #tpu.memory_space<vmem>>[vector<16xi32>, vector<16xi32>], vector<16xf32>,
        tpu.vector_store_idx %arg9[%sub3A_102, %parallel_loop3A_297], %parallel_loop3A_298 : memref<56x512xf32, #tpu.memory_space<vmem>>[vector<16xi32>, vector<16xi32>], vector<16xf32>,
      } {sc.loop_unroll_factor = 4 : i64, sc.parallel_access}
      "tpu.region"() ({
        %run_scoped3A = tpu.sem_alloc : memref<!tpu.dma_semaphore, #tpu.memory_space<semaphore_mem>>
        %dma_start3A_281 = arith.constant 0 : i32
        %dma_start3A_282 = arith.constant 0 : i32
        %dma_start3A_283 = tpu.memref_slice %arg9[%dma_start3A_281, %dma_start3A_282] : memref<56x512xf32, #tpu.memory_space<vmem>> -> memref<50x512xf32, #tpu.memory_space<vmem>>
        %dma_start3A_284 = arith.constant 0 : i32
        %dma_start3A_285 = arith.constant 0 : i32
        %dma_start3A_286 = tpu.memref_slice %arg4[%dma_start3A_284, %add3A_109, %dma_start3A_285] : memref<50x800x1024xf32, #tpu.memory_space<hbm>> -> memref<50x1x512xf32, #tpu.memory_space<hbm>>
        %dma_start3A_287 = tpu.memref_squeeze %dma_start3A_286 : memref<50x1x512xf32, #tpu.memory_space<hbm>> -> memref<50x512xf32, #tpu.memory_space<hbm>>
        %dma_start3A_288 = arith.constant 0 : i32
        %dma_start3A_289 = arith.constant 0 : i32
        %dma_start3A_290 = tpu.memref_slice %arg4[%dma_start3A_288, %add3A_109, %dma_start3A_289] : memref<50x800x1024xf32, #tpu.memory_space<hbm>> -> memref<50x1x512xf32, #tpu.memory_space<hbm>>
        %dma_start3A_291 = tpu.memref_squeeze %dma_start3A_290 : memref<50x1x512xf32, #tpu.memory_space<hbm>> -> memref<50x512xf32, #tpu.memory_space<hbm>>
        %dma_start3A_292 = arith.constant 0 : i32
        %dma_start3A_293 = arith.constant 0 : i32
        %dma_start3A_294 = tpu.memref_slice %arg9[%dma_start3A_292, %dma_start3A_293] : memref<56x512xf32, #tpu.memory_space<vmem>> -> memref<50x512xf32, #tpu.memory_space<vmem>>
        tpu.enqueue_dma source(%dma_start3A_294 : memref<50x512xf32, #tpu.memory_space<vmem>>) target(%dma_start3A_291 : memref<50x512xf32, #tpu.memory_space<hbm>>) target_semaphore(%run_scoped3A : memref<!tpu.dma_semaphore, #tpu.memory_space<semaphore_mem>>)
        %dma_wait3A_295 = arith.constant 0 : i32
        %dma_wait3A_296 = arith.constant 0 : i32
        %dma_wait3A_297 = tpu.memref_slice %arg9[%dma_wait3A_295, %dma_wait3A_296] : memref<56x512xf32, #tpu.memory_space<vmem>> -> memref<50x512xf32, #tpu.memory_space<vmem>>
        %dma_wait3A_298 = arith.constant 0 : i32
        %dma_wait3A_299 = arith.constant 0 : i32
        %dma_wait3A_300 = tpu.memref_slice %arg4[%dma_wait3A_298, %add3A_109, %dma_wait3A_299] : memref<50x800x1024xf32, #tpu.memory_space<hbm>> -> memref<50x1x512xf32, #tpu.memory_space<hbm>>
        %dma_wait3A_301 = tpu.memref_squeeze %dma_wait3A_300 : memref<50x1x512xf32, #tpu.memory_space<hbm>> -> memref<50x512xf32, #tpu.memory_space<hbm>>
        %dma_wait3A_302 = arith.constant 0 : i32
        %dma_wait3A_303 = arith.constant 0 : i32
        %dma_wait3A_304 = tpu.memref_slice %arg4[%dma_wait3A_302, %add3A_109, %dma_wait3A_303] : memref<50x800x1024xf32, #tpu.memory_space<hbm>> -> memref<50x1x512xf32, #tpu.memory_space<hbm>>
        %dma_wait3A_305 = tpu.memref_squeeze %dma_wait3A_304 : memref<50x1x512xf32, #tpu.memory_space<hbm>> -> memref<50x512xf32, #tpu.memory_space<hbm>>
        %dma_wait3A_306 = arith.constant 0 : i32
        %dma_wait3A_307 = arith.constant 0 : i32
        %dma_wait3A_308 = tpu.memref_slice %arg9[%dma_wait3A_306, %dma_wait3A_307] : memref<56x512xf32, #tpu.memory_space<vmem>> -> memref<50x512xf32, #tpu.memory_space<vmem>>
        tpu.wait_dma2 semaphore(%run_scoped3A : memref<!tpu.dma_semaphore, #tpu.memory_space<semaphore_mem>>) src(%dma_wait3A_308 : memref<50x512xf32, #tpu.memory_space<vmem>>) dst(%dma_wait3A_305 : memref<50x512xf32, #tpu.memory_space<hbm>>)
        tpu.yield
      }) : () -> ()
      %dma_wait3A_238 = arith.constant 0 : i32
      %dma_wait3A_239 = arith.constant 0 : i32
      %dma_wait3A_240 = arith.constant 0 : i32
      %dma_wait3A_241 = tpu.memref_slice %arg8[%dma_wait3A_239, %dma_wait3A_240] : memref<512x56xf32, #tpu.memory_space<vmem>> -> memref<128x56xf32, #tpu.memory_space<vmem>>
      %dma_wait3A_242 = arith.constant 0 : i32
      %dma_wait3A_243 = tpu.memref_slice %arg6[%dma_wait3A_238, %dma_wait3A_242] : memref<4x128xi32, #tpu.memory_space<vmem>> -> memref<1x128xi32, #tpu.memory_space<vmem>>
      %dma_wait3A_244 = tpu.memref_squeeze %dma_wait3A_243 : memref<1x128xi32, #tpu.memory_space<vmem>> -> memref<128xi32, #tpu.memory_space<vmem>>
      %dma_wait3A_245 = arith.constant 0 : i32
      %dma_wait3A_246 = arith.constant 0 : i32
      %dma_wait3A_247 = tpu.memref_slice %arg2[%dma_wait3A_245, %dma_wait3A_246] : memref<100000x56xf32, #tpu.memory_space<hbm>> -> memref<100000x56xf32, #tpu.memory_space<hbm>>
      tpu.wait_indirect_dma semaphore(%arg12 : memref<!tpu.dma_semaphore, #tpu.memory_space<semaphore_mem>>) src(%dma_wait3A_247 : memref<100000x56xf32, #tpu.memory_space<hbm>>) dst(%dma_wait3A_241 : memref<128x56xf32, #tpu.memory_space<vmem>>)
      %dma_wait3A_248 = arith.constant 1 : i32
      %dma_wait3A_249 = arith.constant 128 : i32
      %dma_wait3A_250 = arith.constant 0 : i32
      %dma_wait3A_251 = tpu.memref_slice %arg8[%dma_wait3A_249, %dma_wait3A_250] : memref<512x56xf32, #tpu.memory_space<vmem>> -> memref<128x56xf32, #tpu.memory_space<vmem>>
      %dma_wait3A_252 = arith.constant 0 : i32
      %dma_wait3A_253 = tpu.memref_slice %arg6[%dma_wait3A_248, %dma_wait3A_252] : memref<4x128xi32, #tpu.memory_space<vmem>> -> memref<1x128xi32, #tpu.memory_space<vmem>>
      %dma_wait3A_254 = tpu.memref_squeeze %dma_wait3A_253 : memref<1x128xi32, #tpu.memory_space<vmem>> -> memref<128xi32, #tpu.memory_space<vmem>>
      %dma_wait3A_255 = arith.constant 0 : i32
      %dma_wait3A_256 = arith.constant 0 : i32
      %dma_wait3A_257 = tpu.memref_slice %arg2[%dma_wait3A_255, %dma_wait3A_256] : memref<100000x56xf32, #tpu.memory_space<hbm>> -> memref<100000x56xf32, #tpu.memory_space<hbm>>
      tpu.wait_indirect_dma semaphore(%arg12 : memref<!tpu.dma_semaphore, #tpu.memory_space<semaphore_mem>>) src(%dma_wait3A_257 : memref<100000x56xf32, #tpu.memory_space<hbm>>) dst(%dma_wait3A_251 : memref<128x56xf32, #tpu.memory_space<vmem>>)
      %dma_wait3A_258 = arith.constant 2 : i32
      %dma_wait3A_259 = arith.constant 256 : i32
      %dma_wait3A_260 = arith.constant 0 : i32
      %dma_wait3A_261 = tpu.memref_slice %arg8[%dma_wait3A_259, %dma_wait3A_260] : memref<512x56xf32, #tpu.memory_space<vmem>> -> memref<128x56xf32, #tpu.memory_space<vmem>>
      %dma_wait3A_262 = arith.constant 0 : i32
      %dma_wait3A_263 = tpu.memref_slice %arg6[%dma_wait3A_258, %dma_wait3A_262] : memref<4x128xi32, #tpu.memory_space<vmem>> -> memref<1x128xi32, #tpu.memory_space<vmem>>
      %dma_wait3A_264 = tpu.memref_squeeze %dma_wait3A_263 : memref<1x128xi32, #tpu.memory_space<vmem>> -> memref<128xi32, #tpu.memory_space<vmem>>
      %dma_wait3A_265 = arith.constant 0 : i32
      %dma_wait3A_266 = arith.constant 0 : i32
      %dma_wait3A_267 = tpu.memref_slice %arg2[%dma_wait3A_265, %dma_wait3A_266] : memref<100000x56xf32, #tpu.memory_space<hbm>> -> memref<100000x56xf32, #tpu.memory_space<hbm>>
      tpu.wait_indirect_dma semaphore(%arg12 : memref<!tpu.dma_semaphore, #tpu.memory_space<semaphore_mem>>) src(%dma_wait3A_267 : memref<100000x56xf32, #tpu.memory_space<hbm>>) dst(%dma_wait3A_261 : memref<128x56xf32, #tpu.memory_space<vmem>>)
      %dma_wait3A_268 = arith.constant 3 : i32
      %dma_wait3A_269 = arith.constant 384 : i32
      %dma_wait3A_270 = arith.constant 0 : i32
      %dma_wait3A_271 = tpu.memref_slice %arg8[%dma_wait3A_269, %dma_wait3A_270] : memref<512x56xf32, #tpu.memory_space<vmem>> -> memref<128x56xf32, #tpu.memory_space<vmem>>
      %dma_wait3A_272 = arith.constant 0 : i32
      %dma_wait3A_273 = tpu.memref_slice %arg6[%dma_wait3A_268, %dma_wait3A_272] : memref<4x128xi32, #tpu.memory_space<vmem>> -> memref<1x128xi32, #tpu.memory_space<vmem>>
      %dma_wait3A_274 = tpu.memref_squeeze %dma_wait3A_273 : memref<1x128xi32, #tpu.memory_space<vmem>> -> memref<128xi32, #tpu.memory_space<vmem>>
      %dma_wait3A_275 = arith.constant 0 : i32
      %dma_wait3A_276 = arith.constant 0 : i32
      %dma_wait3A_277 = tpu.memref_slice %arg2[%dma_wait3A_275, %dma_wait3A_276] : memref<100000x56xf32, #tpu.memory_space<hbm>> -> memref<100000x56xf32, #tpu.memory_space<hbm>>
      tpu.wait_indirect_dma semaphore(%arg12 : memref<!tpu.dma_semaphore, #tpu.memory_space<semaphore_mem>>) src(%dma_wait3A_277 : memref<100000x56xf32, #tpu.memory_space<hbm>>) dst(%dma_wait3A_271 : memref<128x56xf32, #tpu.memory_space<vmem>>)
      %parallel_loop3A_278 = arith.constant 0 : i32
      %parallel_loop3A_279 = arith.constant 256 : i32
      %parallel_loop3A_280 = arith.constant 1 : i32
      scf.for %parallel_loop3A_281 = %parallel_loop3A_278 to %parallel_loop3A_279 step %parallel_loop3A_280  : i32 {
        %parallel_loop3A_282 = arith.constant 2 : i32
        %parallel_loop3A_283 = arith.muli %parallel_loop3A_282, %parallel_loop3A_281 : i32
        %parallel_loop3A_284 = vector.broadcast %parallel_loop3A_283 : i32 to vector<16xi32>
        %parallel_loop3A_285 = arith.addi %select_n3A, %parallel_loop3A_284 : vector<16xi32>
        %parallel_loop3A_286 = tpu.vector_load_idx %arg8[%parallel_loop3A_285, %sub3A] : memref<512x56xf32, #tpu.memory_space<vmem>>[vector<16xi32>, vector<16xi32>], vector<16xf32>,
        tpu.vector_store_idx %arg10[%sub3A, %parallel_loop3A_285], %parallel_loop3A_286 : memref<56x512xf32, #tpu.memory_space<vmem>>[vector<16xi32>, vector<16xi32>], vector<16xf32>,
        %parallel_loop3A_287 = arith.addi %select_n3A_23, %parallel_loop3A_284 : vector<16xi32>
        %parallel_loop3A_288 = tpu.vector_load_idx %arg8[%parallel_loop3A_287, %sub3A_27] : memref<512x56xf32, #tpu.memory_space<vmem>>[vector<16xi32>, vector<16xi32>], vector<16xf32>,
        tpu.vector_store_idx %arg10[%sub3A_27, %parallel_loop3A_287], %parallel_loop3A_288 : memref<56x512xf32, #tpu.memory_space<vmem>>[vector<16xi32>, vector<16xi32>], vector<16xf32>,
        %parallel_loop3A_289 = arith.addi %select_n3A_38, %parallel_loop3A_284 : vector<16xi32>
        %parallel_loop3A_290 = tpu.vector_load_idx %arg8[%parallel_loop3A_289, %sub3A_42] : memref<512x56xf32, #tpu.memory_space<vmem>>[vector<16xi32>, vector<16xi32>], vector<16xf32>,
        tpu.vector_store_idx %arg10[%sub3A_42, %parallel_loop3A_289], %parallel_loop3A_290 : memref<56x512xf32, #tpu.memory_space<vmem>>[vector<16xi32>, vector<16xi32>], vector<16xf32>,
        %parallel_loop3A_291 = arith.addi %select_n3A_53, %parallel_loop3A_284 : vector<16xi32>
        %parallel_loop3A_292 = tpu.vector_load_idx %arg8[%parallel_loop3A_291, %sub3A_57] : memref<512x56xf32, #tpu.memory_space<vmem>>[vector<16xi32>, vector<16xi32>], vector<16xf32>,
        tpu.vector_store_idx %arg10[%sub3A_57, %parallel_loop3A_291], %parallel_loop3A_292 : memref<56x512xf32, #tpu.memory_space<vmem>>[vector<16xi32>, vector<16xi32>], vector<16xf32>,
        %parallel_loop3A_293 = arith.addi %select_n3A_68, %parallel_loop3A_284 : vector<16xi32>
        %parallel_loop3A_294 = tpu.vector_load_idx %arg8[%parallel_loop3A_293, %sub3A_72] : memref<512x56xf32, #tpu.memory_space<vmem>>[vector<16xi32>, vector<16xi32>], vector<16xf32>,
        tpu.vector_store_idx %arg10[%sub3A_72, %parallel_loop3A_293], %parallel_loop3A_294 : memref<56x512xf32, #tpu.memory_space<vmem>>[vector<16xi32>, vector<16xi32>], vector<16xf32>,
        %parallel_loop3A_295 = arith.addi %select_n3A_83, %parallel_loop3A_284 : vector<16xi32>
        %parallel_loop3A_296 = tpu.vector_load_idx %arg8[%parallel_loop3A_295, %sub3A_87] : memref<512x56xf32, #tpu.memory_space<vmem>>[vector<16xi32>, vector<16xi32>], vector<16xf32>,
        tpu.vector_store_idx %arg10[%sub3A_87, %parallel_loop3A_295], %parallel_loop3A_296 : memref<56x512xf32, #tpu.memory_space<vmem>>[vector<16xi32>, vector<16xi32>], vector<16xf32>,
        %parallel_loop3A_297 = arith.addi %select_n3A_98, %parallel_loop3A_284 : vector<16xi32>
        %parallel_loop3A_298 = tpu.vector_load_idx %arg8[%parallel_loop3A_297, %sub3A_102] : memref<512x56xf32, #tpu.memory_space<vmem>>[vector<16xi32>, vector<16xi32>], vector<16xf32>,
        tpu.vector_store_idx %arg10[%sub3A_102, %parallel_loop3A_297], %parallel_loop3A_298 : memref<56x512xf32, #tpu.memory_space<vmem>>[vector<16xi32>, vector<16xi32>], vector<16xf32>,
      } {sc.loop_unroll_factor = 4 : i64, sc.parallel_access}
      "tpu.region"() ({
        %run_scoped3A = tpu.sem_alloc : memref<!tpu.dma_semaphore, #tpu.memory_space<semaphore_mem>>
        %dma_start3A_281 = arith.constant 0 : i32
        %dma_start3A_282 = arith.constant 0 : i32
        %dma_start3A_283 = tpu.memref_slice %arg10[%dma_start3A_281, %dma_start3A_282] : memref<56x512xf32, #tpu.memory_space<vmem>> -> memref<50x512xf32, #tpu.memory_space<vmem>>
        %dma_start3A_284 = arith.constant 0 : i32
        %dma_start3A_285 = arith.constant 512 : i32
        %dma_start3A_286 = tpu.memref_slice %arg4[%dma_start3A_284, %add3A_109, %dma_start3A_285] : memref<50x800x1024xf32, #tpu.memory_space<hbm>> -> memref<50x1x512xf32, #tpu.memory_space<hbm>>
        %dma_start3A_287 = tpu.memref_squeeze %dma_start3A_286 : memref<50x1x512xf32, #tpu.memory_space<hbm>> -> memref<50x512xf32, #tpu.memory_space<hbm>>
        %dma_start3A_288 = arith.constant 0 : i32
        %dma_start3A_289 = arith.constant 512 : i32
        %dma_start3A_290 = tpu.memref_slice %arg4[%dma_start3A_288, %add3A_109, %dma_start3A_289] : memref<50x800x1024xf32, #tpu.memory_space<hbm>> -> memref<50x1x512xf32, #tpu.memory_space<hbm>>
        %dma_start3A_291 = tpu.memref_squeeze %dma_start3A_290 : memref<50x1x512xf32, #tpu.memory_space<hbm>> -> memref<50x512xf32, #tpu.memory_space<hbm>>
        %dma_start3A_292 = arith.constant 0 : i32
        %dma_start3A_293 = arith.constant 0 : i32
        %dma_start3A_294 = tpu.memref_slice %arg10[%dma_start3A_292, %dma_start3A_293] : memref<56x512xf32, #tpu.memory_space<vmem>> -> memref<50x512xf32, #tpu.memory_space<vmem>>
        tpu.enqueue_dma source(%dma_start3A_294 : memref<50x512xf32, #tpu.memory_space<vmem>>) target(%dma_start3A_291 : memref<50x512xf32, #tpu.memory_space<hbm>>) target_semaphore(%run_scoped3A : memref<!tpu.dma_semaphore, #tpu.memory_space<semaphore_mem>>)
        %dma_wait3A_295 = arith.constant 0 : i32
        %dma_wait3A_296 = arith.constant 0 : i32
        %dma_wait3A_297 = tpu.memref_slice %arg10[%dma_wait3A_295, %dma_wait3A_296] : memref<56x512xf32, #tpu.memory_space<vmem>> -> memref<50x512xf32, #tpu.memory_space<vmem>>
        %dma_wait3A_298 = arith.constant 0 : i32
        %dma_wait3A_299 = arith.constant 512 : i32
        %dma_wait3A_300 = tpu.memref_slice %arg4[%dma_wait3A_298, %add3A_109, %dma_wait3A_299] : memref<50x800x1024xf32, #tpu.memory_space<hbm>> -> memref<50x1x512xf32, #tpu.memory_space<hbm>>
        %dma_wait3A_301 = tpu.memref_squeeze %dma_wait3A_300 : memref<50x1x512xf32, #tpu.memory_space<hbm>> -> memref<50x512xf32, #tpu.memory_space<hbm>>
        %dma_wait3A_302 = arith.constant 0 : i32
        %dma_wait3A_303 = arith.constant 512 : i32
        %dma_wait3A_304 = tpu.memref_slice %arg4[%dma_wait3A_302, %add3A_109, %dma_wait3A_303] : memref<50x800x1024xf32, #tpu.memory_space<hbm>> -> memref<50x1x512xf32, #tpu.memory_space<hbm>>
        %dma_wait3A_305 = tpu.memref_squeeze %dma_wait3A_304 : memref<50x1x512xf32, #tpu.memory_space<hbm>> -> memref<50x512xf32, #tpu.memory_space<hbm>>
        %dma_wait3A_306 = arith.constant 0 : i32
        %dma_wait3A_307 = arith.constant 0 : i32
        %dma_wait3A_308 = tpu.memref_slice %arg10[%dma_wait3A_306, %dma_wait3A_307] : memref<56x512xf32, #tpu.memory_space<vmem>> -> memref<50x512xf32, #tpu.memory_space<vmem>>
        tpu.wait_dma2 semaphore(%run_scoped3A : memref<!tpu.dma_semaphore, #tpu.memory_space<semaphore_mem>>) src(%dma_wait3A_308 : memref<50x512xf32, #tpu.memory_space<vmem>>) dst(%dma_wait3A_305 : memref<50x512xf32, #tpu.memory_space<hbm>>)
        tpu.yield
      }) : () -> ()
    }
    %scan3A_107 = arith.constant 25 : i32
    return
  }
}

</mosaic_0001>

<sc_bundles>
// kernel: kernel.3.cloned.1.call-start
scs
__scs_entry_jumppad:
0x0: {  	(pc) =	sbr.rel $0x88, $3  }
0x1: {  	(tag) =	ssettag $0x0;
	lr =	simm.s32 $0x1  }
0x2: {  	[smem:$0x3F9F] =	sst lr;
	_ =	strace $0xD0000000  }
0x3: {  	_ = 	snop  }
0x4: {  	_ = 	snop  }
0x5: {  	_ = 	snop  }
0x6: {  	_ = 	snop  }
0x7: {  	_ = 	snop  }
__scs_overlays_trampoline_lowered:
0x8: {  	[smem:$0x3FAE] =	sst s0  }
0x9: {  	[smem:$0x3FAF] =	sst s1  }
0xa: {  	[smem:$0x3FB0] =	sst s2  }
0xb: {  	[smem:$0x3FB1] =	sst s3  }
0xc: {  	[smem:$0x3FB2] =	sst s4  }
0xd: {  	[smem:$0x3FB3] =	sst s5  }
0xe: {  	[smem:$0x3FB4] =	sst s6  }
0xf: {  	[smem:$0x3FB5] =	sst s7  }
0x10: {  	[smem:$0x3FB6] =	sst s8  }
0x11: {  	[smem:$0x3FB7] =	sst s9;
	s0 =	simm.s32 @!p0 $0x0  }
0x12: {  	s1 =	sld [smem:$0x3F9D];
	s0 =	simm.s32 @p0 $0x1  }
0x13: {  	[smem:$0x3FB8] =	sst s0;
	s0 =	simm.s32 @!p1 $0x0  }
0x14: {  	s2 =	sld [smem:$0x3F9C];
	s0 =	simm.s32 @p1 $0x1  }
0x15: {  	[smem:$0x3FB9] =	sst s0;
	s0 =	simm.s32 @!p2 $0x0  }
0x16: {  	s3 =	sld [smem:$0x3FDB];
	s0 =	simm.s32 @p2 $0x1  }
0x17: {  	s4 =	simm.s32 $0x1BF5;
	[smem:$0x3FBB] =	sst s0  }
0x18: {  	s0 =	sld [smem:$0x3F9E];
	_ =	swait.ge [sflag:s4], $0x0  }
0x19: {  	s7 =	sld [smem:$0x3F9F]  }
0x1a: {  	s8 =	sadd.s32 $0xFFFFE003, lr  }
0x1b: {  	s9 =	sadd.s32 $0xFFFFFEF7, lr;
	s5 =	simm.s32 $0xFFFFFFFF;
	p2 =	slt.u32 s8, $0xFFFFF086  }
0x1c: {  	p1 =	slt.u32 s9, $0xF7A;
	s5 =	simm.s32 @!p2 $0x0  }
0x1d: {  	s5 =	simm.s32 @p1 $0x1;
	p0 =	seq.s32 s7, s2  }
0x1e: {  	s7 =	smul.u32 @!p0 $0xF7A, s2;
	p2 =	seq.s32 @!p0 s5, $0x0  }
0x1f: {  	s9 =	smul.u32 $0xF7A, s1;
	s8 =	simm.s32 @!p0 $0x1BF5;
	p2 =	por !p2, p0  }
0x20: {  	[sflag:s8] =	ssyncset.s32 @!p0 $0xFFFFF086;
	s6 =	sadd.s32 @!p0 s3, s7;
	s7 =	simm.s32 @!p0 $0x108  }
0x21: {  	s3 =	sadd.s32 s3, s9;
	s6 =	sadd.s32 @!p0 $0x88, s6;
	s7 =	simm.s32 @p2 $0x1082  }
0x22: {  	[simem:s7], [sflag:s8] =	dma.local @!p0 [hbm:s6], $0xF7A  }
0x23: {  	s9 =	sor.u32 $0xD0000000, s2;
	s6 =	simm.s32 $0x108;
	_ =	swait.ge @!p0 [sflag:s8], $0x0  }
0x24: {  	s3 =	sadd.s32 $0x88, s3;
	s6 =	simm.s32 @!p1 $0x1082;
	[sflag:s4] =	ssyncset.s32 $0xFFFFF086  }
0x25: {  	[simem:s6], [sflag:s4] =	dma.local [hbm:s3], $0xF7A  }
0x26: {  	[smem:$0x3F9F] =	sst s1;
	(tag) =	ssettag s2;
	_ =	strace s9  }
0x27: {  	s1 =	sld [smem:$0x3FAF]  }
0x28: {  	s2 =	sld [smem:$0x3FB0]  }
0x29: {  	s4 =	sld [smem:$0x3FB2]  }
0x2a: {  	p0 =	seq.s32 s5, $0x0;
	s5 =	sld [smem:$0x3FB3]  }
0x2b: {  	s6 =	sld [smem:$0x3FB4]  }
0x2c: {  	s7 =	sld [smem:$0x3FB5]  }
0x2d: {  	s3 =	simm.s32 $0x108;
	s8 =	sld [smem:$0x3FB6]  }
0x2e: {  	s3 =	simm.s32 @!p0 $0x1082;
	s9 =	sld [smem:$0x3FB7]  }
0x2f: {  	lr =	sadd.s32 s0, s3;
	s0 =	sld [smem:$0x3FAE]  }
0x30: {  	s3 =	sld [smem:$0x3FB1]  }
0x31: {  	[smem:$0x3FBA] =	sst s10  }
0x32: {  	s10 =	sld [smem:$0x3FB8];
	_ =	sdelay $0x3  }
0x33: {  	p0 =	seq.s32 s10, $0x1;
	s10 =	sld [smem:$0x3FBA];
	_ =	sdelay $0x3  }
0x34: {  	[smem:$0x3FBA] =	sst s10  }
0x35: {  	s10 =	sld [smem:$0x3FB9];
	_ =	sdelay $0x3  }
0x36: {  	p1 =	seq.s32 s10, $0x1;
	s10 =	sld [smem:$0x3FBA];
	_ =	sdelay $0x3  }
0x37: {  	[smem:$0x3FBA] =	sst s10  }
0x38: {  	s10 =	sld [smem:$0x3FBB]  }
0x39: {  	_ = 	snop;
	(pc) =	sbr.ind lr, $3  }
0x3a: {  	_ = 	snop  }
0x3b: {  	_ = 	snop  }
0x3c: {  	p2 =	seq.s32 s10, $0x1;
	s10 =	sld [smem:$0x3FBA]  }
0x3d: {  	_ =	shalt  }
0x3e: {  	_ =	shalt  }
0x3f: {  	_ =	shalt  }
0x40: {  	_ =	shalt  }
0x41: {  	_ =	shalt  }
0x42: {  	_ =	shalt  }
0x43: {  	_ =	shalt  }
0x44: {  	_ =	shalt  }
0x45: {  	_ =	shalt  }
0x46: {  	_ =	shalt  }
0x47: {  	_ =	shalt  }
0x48: {  	_ =	shalt  }
0x49: {  	_ =	shalt  }
0x4a: {  	_ =	shalt  }
0x4b: {  	_ =	shalt  }
0x4c: {  	_ =	shalt  }
0x4d: {  	_ =	shalt  }
0x4e: {  	_ =	shalt  }
0x4f: {  	_ =	shalt  }
0x50: {  	_ =	shalt  }
0x51: {  	_ =	shalt  }
0x52: {  	_ =	shalt  }
0x53: {  	_ =	shalt  }
0x54: {  	_ =	shalt  }
0x55: {  	_ =	shalt  }
0x56: {  	_ =	shalt  }
0x57: {  	_ =	shalt  }
0x58: {  	_ =	shalt  }
0x59: {  	_ =	shalt  }
0x5a: {  	_ =	shalt  }
0x5b: {  	_ =	shalt  }
0x5c: {  	_ =	shalt  }
0x5d: {  	_ =	shalt  }
0x5e: {  	_ =	shalt  }
0x5f: {  	_ =	shalt  }
0x60: {  	_ =	shalt  }
0x61: {  	_ =	shalt  }
0x62: {  	_ =	shalt  }
0x63: {  	_ =	shalt  }
0x64: {  	_ =	shalt  }
0x65: {  	_ =	shalt  }
0x66: {  	_ =	shalt  }
0x67: {  	_ =	shalt  }
0x68: {  	_ =	shalt  }
0x69: {  	_ =	shalt  }
0x6a: {  	_ =	shalt  }
0x6b: {  	_ =	shalt  }
0x6c: {  	_ =	shalt  }
0x6d: {  	_ =	shalt  }
0x6e: {  	_ =	shalt  }
0x6f: {  	_ =	shalt  }
0x70: {  	_ =	shalt  }
0x71: {  	_ =	shalt  }
0x72: {  	_ =	shalt  }
0x73: {  	_ =	shalt  }
0x74: {  	_ =	shalt  }
0x75: {  	_ =	shalt  }
0x76: {  	_ =	shalt  }
0x77: {  	_ =	shalt  }
0x78: {  	_ =	shalt  }
0x79: {  	_ =	shalt  }
0x7a: {  	_ =	shalt  }
0x7b: {  	_ =	shalt  }
0x7c: {  	_ =	shalt  }
0x7d: {  	_ =	shalt  }
0x7e: {  	_ =	shalt  }
0x7f: {  	_ =	shalt  }
0x80: {  	_ =	shalt  }
0x81: {  	_ =	shalt  }
0x82: {  	_ =	shalt  }
0x83: {  	_ =	shalt  }
0x84: {  	_ =	shalt  }
0x85: {  	_ =	shalt  }
0x86: {  	_ =	shalt  }
0x87: {  	_ =	shalt  }
.Lfunc_end0:
.L_simem_size_0:
called_computation_lowered:
.L_overlay_start_0:
0x88: {  	s2 =	sld [smem:$0x3FD9]  }
0x89: {  	s3 =	sld [smem:$0x3FFE];
	_ =	sdelay $0x1  }
0x8a: {  	s1 =	srdreg.scid  }
0x8b: {  	s0 =	sand.u32 $0x1, s1  }
0x8c: {  	s17 =	sshll.u32 s0, $0xA;
	s2 =	sadd.s32 s3, s2  }
0x8d: {  	s2 =	sadd.s32 s2, s17  }
0x8e: {  	[smem:$0x3FC6] =	sst s2  }
0x8f: {  	_ = 	snop  }
0x90: {  	s2 =	sld [smem:$0x3FC9]  }
0x91: {  	s18 =	sld [smem:$0x3FD0];
	(tm) =	ssettm $0x1  }
0x92: {  	s4 =	sld [smem:$0x3FFB];
	_ =	sdelay $0x3  }
0x93: {  	_ =	strace s4  }
0x94: {  	s4 =	sld [smem:$0x3FFC];
	_ =	sdelay $0x3  }
0x95: {  	_ =	strace s4  }
0x96: {  	s4 =	sld [smem:$0x3FFD];
	_ =	sdelay $0x3  }
0x97: {  	_ =	strace s4  }
0x98: {  	_ =	strace $0x8FFFFFFF  }
0x99: {  	s19 =	sld [smem:$0x3FDB];
	_ =	sdelay $0x1  }
0x9a: {  	s5 =	simm.s32 $_scs_section_size  }
0x9b: {  	s6 =	simm.s32 $_size__tile_overlayer_lowered;
	s7 =	simm.s32 $_tile_overlayer_lowered  }
0x9c: {  	s22 =	simm.s32 $0x1BFF;
	s21 =	sshll.u32 s7, $0x1;
	s4 =	sadd.s32 s5, s19  }
0x9d: {  	s8 =	simm.s32 $0x0;
	s20 =	sshll.u32 s6, $0x1;
	s6 =	sadd.s32 s21, s4  }
0x9e: {  	[timem:s8], [sflag:s22] =	dma.local [hbm:s6], s20  }
0x9f: {  	_ =	swait.ge [sflag:s22], s20  }
0xa0: {  	s5 =	ssub.s32 $0x0, s20;
	[sflag:s22] =	ssyncset.done $0x0  }
0xa1: {  	[sflag:s22] =	ssyncadd.s32 s5;
	_ =	sdelay $0x1  }
0xa2: {  	s23 =	simm.s32 $0x1B8B  }
0xa3: {  	_ =	swait.ge [sflag:s23], $0x1  }
0xa4: {  	[sflag:s23] =	ssyncset.done $0x0  }
0xa5: {  	s25 =	simm.s32 $0x1B8E;
	s24 =	sld [smem:$0x3FFE];
	[sflag:s23] =	ssyncadd.s32 $0xFFFFFFFF  }
0xa6: {  	s26 =	simm.s32 $execute0_lowered;
	[smem:$0x3FD2] =	sst s25  }
0xa7: {  	s6 =	sshll.u32 s26, $0x1;
	_ =	strace $0x80000046;
	[dreg:$0x1] =	wrdreg $0xFFFFFFFF  }
0xa8: {  	s28 =	simm.s32 $_size_execute0_lowered;
	s4 =	sadd.s32 s4, s6;
	[dreg:$0x0] =	wrdreg $0x0  }
0xa9: {  	s6 =	sshll.u32 s28, $0x1;
	[dreg:$0x2] =	wrdreg s4  }
0xaa: {  	[dreg:$0x3] =	wrdreg s6  }
0xab: {  	[dreg:$0x4] =	wrdreg $0xC0  }
0xac: {  	_ =	task [dreg:s8], $0x5FFFF  }
0xad: {  	[dreg:$0x1] =	wrdreg $0xFFFFFFFF  }
0xae: {  	[dreg:$0x0] =	wrdreg $0x60  }
0xaf: {  	[dreg:$0x2] =	wrdreg s24  }
0xb0: {  	[dreg:$0x3] =	wrdreg s2  }
0xb1: {  	[dreg:$0x4] =	wrdreg s18  }
0xb2: {  	[dreg:$0x5] =	wrdreg $0x9  }
0xb3: {  	_ =	task.clear_ibuf [dreg:s8], $0x6FFFF;
	_ =	strace $0x90000046  }
0xb4: {  	s29 =	simm.s32 $0x9;
	_ =	strace $0x80000048  }
0xb5: {  	_ =	swait.ge [sflag:s29], $0x1  }
0xb6: {  	[sflag:s29] =	ssyncadd.s32 $0xFFFFFFFF  }
0xb7: {  	_ =	strace $0x90000048  }
0xb8: {  	_ =	sfence  }
0xb9: {  	s30 =	sld [smem:$0x0];
	_ =	sdelay $0x2  }
0xba: {  	s31 =	sshll.u32 s1, $0xD;
	s1 =	sshrl.u32 s1, $0x2  }
0xbb: {  	s3 =	sand.u32 $0x4000, s31;
	s1 =	sadd.s32 s1, s30  }
0xbc: {  	s0 =	sor.u32 s3, s0;
	s1 =	sshll.u32 s1, $0x11  }
0xbd: {  	s0 =	sor.u32 s1, s0  }
0xbe: {  	s0 =	sadd.s32 $0x8F2B, s0  }
0xbf: {  	[sflag:s0] =	ssyncadd.remote.s32 $0x1  }
0xc0: {  	_ =	sfence.sel $0xFFFF  }
0xc1: {  	[dreg:$0x0] =	wrdreg $0xFFFFFFFF;
	(pc) =	sbr.abs _section_cstart, $3  }
0xc2: {  	[dreg:$0x1] =	wrdreg $0xFFFFFFFF  }
0xc3: {  	_ =	task.clear_ibuf [dreg:s8], $0x2FFFF;
	_ =	strace $0x9FFFFFFF  }
0xc4: {  	(tm) =	ssettm $0x7FFFFFFF  }
0xc5: {  	_ =	shalt  }
tec
execute0_lowered:
.L_overlay_start_1:
0x0: {  	(tag) =	ssettag $0x1  }
0x1: {  	v0 =	vimm.s32 $0xE01;
	vm0 =	vcmask $0x300  }
0x2: {  	vm13 =	vcmask $0x704;
	v0 =	vsel vm0, $0x6000, v0  }
0x3: {  	vm14 =	vcmask $0xB08;
	v0 =	vsel vm13, $0x6200, v0  }
0x4: {  	vm15 =	vcmask $0xF0C;
	v0 =	vsel vm14, $0x6400, v0  }
0x5: {  	vm4 =	vcmask $0x1310;
	v0 =	vsel vm15, $0x6600, v0  }
0x6: {  	vm5 =	vcmask $0x1714;
	v0 =	vsel vm4, $0x6800, v0  }
0x7: {  	vm6 =	vcmask $0x1B18;
	v0 =	vsel vm5, $0x6A00, v0  }
0x8: {  	s0 =	rddreg [dreg:$0x0];
	v1 =	vsel vm6, $0x6C00, v0;
	v0 =	vlaneseq.u32  }
0x9: {  	s7 =	rddreg [dreg:$0x1];
	s3 =	simm.s32 $0x0;
	v26 =	vmul.u32 $0x200, v0  }
0xa: {  	[smem:$0x7FF] =	sst s3;
	v33 =	vor.u32 $0x30, v0  }
0xb: {  	s8 =	rddreg [dreg:$0x2];
	_ =	strace $0x80000047;
	[tilespmem:$0x1FFF0] =	vst v33;
	v45 =	vor.u32 $0x2006, v26  }
0xc: {  	v47 =	vor.u32 $0x4006, v26;
	[tilespmem:$0x1FEB0] =	vst v45  }
0xd: {  	v62 =	vadd.s32 $0x1007, v26;
	[tilespmem:$0x1FEC0] =	vst v47  }
0xe: {  	v63 =	vor.u32 $0x6, v26;
	[tilespmem:$0x1FED0] =	vst v62  }
0xf: {  	vm7 =	vcmask $0x1F1C;
	v61 =	vadd.s32 $0x3005, v26;
	[tilespmem:$0x1FEE0] =	vst v63  }
0x10: {  	vm8 =	vcmask $0x2320;
	vm9 =	vcmask $0x2724;
	v43 =	vadd.s32 $0x1005, v26;
	[tilespmem:$0x1FEF0] =	vst v61  }
0x11: {  	vm10 =	vcmask $0x2B28;
	vm11 =	vcmask $0x2F2C;
	v40 =	vadd.s32 $0x5005, v26;
	[tilespmem:$0x1FF00] =	vst v43  }
0x12: {  	vm12 =	vcmask $0x3330;
	v3 =	vimm.s32 $0x33323130;
	v57 =	vadd.s32 $0x3003, v26;
	[tilespmem:$0x1FF10] =	vst v40  }
0x13: {  	v5 =	vimm.s32 $0x37363534;
	v1 =	vsel vm7, $0x6E00, v1;
	v44 =	vadd.s32 $0x1003, v26;
	[tilespmem:$0x1FF20] =	vst v57  }
0x14: {  	v3 =	vunpack.c.0.s8.s32 v3;
	v1 =	vsel vm8, $0x1, v1;
	v25 =	vadd.s32 $0x5003, v26;
	[tilespmem:$0x1FF30] =	vst v44  }
0x15: {  	v5 =	vunpack.c.0.s8.s32 v5;
	v1 =	vsel vm9, $0x201, v1;
	v53 =	vor.u32 $0x4, v26;
	[tilespmem:$0x1FF40] =	vst v25  }
0x16: {  	vm13 =	vcmask $0x3734;
	v22 =	vor.u32 $0x2004, v26;
	v1 =	vsel vm10, $0x401, v1;
	[tilespmem:$0x1FF50] =	vst v53  }
0x17: {  	vm15 =	vcmask $0x1F10;
	v23 =	vor.u32 $0x4004, v26;
	[tilespmem:$0x1FF60] =	vst v22;
	v1 =	vsel vm11, $0x601, v1  }
0x18: {  	v3 =	vsel vm15, v5, v3;
	v5 =	vor.u32 $0x4002, v26;
	[tilespmem:$0x1FF70] =	vst v23;
	v1 =	vsel vm12, $0x801, v1  }
0x19: {  	s1 =	srdreg.scid;
	s4 =	stileid.u32;
	s12 =	simm.s32 $0x400;
	vm14 =	vcmask $0x3B38;
	v48 =	vor.u32 $0x2, v26;
	[tilespmem:$0x1FF80] =	vst v5;
	v1 =	vsel vm13, $0xA01, v1  }
0x1a: {  	s10 =	simm.s32 $0x3;
	s11 =	simm.s32 $0x80;
	s18 =	simm.s32 $0x200;
	v32 =	vadd.s32 $0x5001, v26;
	[tilespmem:$0x1FF90] =	vst v48;
	v7 =	vsel vm14, $0xC01, v1;
	v1 =	vimm.s32 $0x76543210  }
0x1b: {  	s19 =	simm.s32 $0x7400;
	s24 =	simm.s32 $0x380;
	s25 =	simm.s32 $0xC800;
	v24 =	vor.u32 $0x2002, v26;
	[tilespmem:$0x1FFA0] =	vst v32;
	v1 =	vunpack.c.l.s4.s8 v1  }
0x1c: {  	s28 =	simm.s32 $0xE400;
	s29 =	simm.s32 $0xC8000;
	s1 =	sand.u32 $0x1, s1;
	v30 =	vor.u32 $0x4000, v26;
	[tilespmem:$0x1FFB0] =	vst v24  }
0x1d: {  	s30 =	simm.s32 $0x2;
	s31 =	simm.s32 $0x15400;
	s2 =	ssub.s32 $0x2, s1;
	v31 =	vadd.s32 $0x3001, v26;
	[tilespmem:$0x1FFC0] =	vst v30;
	v1 =	vunpack.c.0.s8.s32 v1  }
0x1e: {  	s4 =	sshll.u32 s4, $0x1;
	s5 =	sadd.s32 $0x186E00, s0;
	s26 =	sshrl.u32 s2, $0x1;
	v2 =	vor.u32 $0x10, v0;
	v28 =	vadd.s32 $0x1001, v26;
	[tilespmem:$0x1FFD0] =	vst v31  }
0x1f: {  	s7 =	sadd.s32 $0x40, s7;
	s1 =	sor.u32 s1, s4;
	s0 =	ssub.s32 s2, s26;
	v4 =	vor.u32 $0x20, v0;
	[tilespmem:$0x1FFE0] =	vst v28;
	v18 =	vcombine.low v3, v1;
	v1 =	vadd.s32 $0x5007, v26  }
0x20: {  	s8 =	sadd.s32 $0x40, s8;
	s6 =	smul.u32 $0x19, s1;
	s0 =	smax.u32 s0, $0x1;
	v8 =	vor.u32 $0x40, v0;
	v10 =	vor.u32 $0x50, v0;
	v3 =	vadd.s32 $0x3007, v26;
	[tilespmem:$0x1FE90] =	vst v1  }
0x21: {  	s1 =	simm.s32 $0x0;
	s26 =	simm.s32 $0x1;
	[dreg:$0x4] =	wrdreg s0;
	v12 =	vor.u32 $0x60, v0;
	v17 =	vshrl.u32 v0, $0x3;
	v27 =	vor.u32 $0x2000, v26;
	[tilespmem:$0x1FEA0] =	vst v3  }
.LBB2_1:
0x22: {  	[dreg:$0x5] =	wrdreg s1;
	s4 =	simm.s32 $0x0  }
.LBB2_2:
0x23: {  	s0 =	sadd.s32 s6, s4  }
0x24: {  	s2 =	rddreg [dreg:$0x1];
	s9 =	sshll.u32 s0, $0x7  }
0x25: {  	s0 =	sadd.s32 s2, s9  }
0x26: {  	[tilespmem:s3], [sflag:$0x3] =	stream.linear.gather [hbm4b:s0+s3], $0x200, $0x38;
	[tilespmem:$0x1C400] =	vst v63  }
0x27: {  	_ =	swait.ge [sflag:s10], $0x200  }
0x28: {  	[sflag:s10] =	ssyncset.done $0x0  }
0x29: {  	[sflag:s10] =	ssyncadd.s32 $0xFFFFFE00  }
0x2a: {  	[tilespmem:s12], [sflag:$0x1] =	stream.indirect.gather [hbm4b:s5+s11], $0x38, s3, s11, $0xb8;
	[tilespmem:$0x1C400] =	vst v63  }
0x2b: {  	s13 =	simm.s32 $0x2000  }
0x2c: {  	[tilespmem:s13], [sflag:$0x1] =	stream.indirect.gather [hbm4b:s5+s11], $0x38, s11, s11, $0xb8;
	[tilespmem:$0x1C400] =	vst v63  }
0x2d: {  	s14 =	simm.s32 $0x100;
	s1 =	simm.s32 $0x3C00  }
0x2e: {  	[tilespmem:s1], [sflag:$0x1] =	stream.indirect.gather [hbm4b:s5+s11], $0x38, s14, s11, $0xb8;
	[tilespmem:$0x1C400] =	vst v63  }
0x2f: {  	s15 =	simm.s32 $0x180;
	s16 =	simm.s32 $0x5800  }
0x30: {  	[tilespmem:s16], [sflag:$0x1] =	stream.indirect.gather [hbm4b:s5+s11], $0x38, s15, s11, $0xb8;
	[tilespmem:$0x1C400] =	vst v63  }
0x31: {  	s17 =	sadd.s32 s9, s7  }
0x32: {  	[tilespmem:s18], [sflag:$0x3] =	stream.linear.gather [hbm4b:s17+s3], $0x200, $0x38;
	[tilespmem:$0x1C400] =	vst v63  }
0x33: {  	_ =	swait.ge [sflag:s10], $0x200  }
0x34: {  	[sflag:s10] =	ssyncset.done $0x0  }
0x35: {  	[sflag:s10] =	ssyncadd.s32 $0xFFFFFE00  }
0x36: {  	[tilespmem:s19], [sflag:$0x2] =	stream.indirect.gather [hbm4b:s5+s11], $0x38, s18, s11, $0xb8;
	[tilespmem:$0x1C400] =	vst v63  }
0x37: {  	s20 =	simm.s32 $0x280;
	s21 =	simm.s32 $0x9000  }
0x38: {  	[tilespmem:s21], [sflag:$0x2] =	stream.indirect.gather [hbm4b:s5+s11], $0x38, s20, s11, $0xb8;
	[tilespmem:$0x1C400] =	vst v63  }
0x39: {  	s22 =	simm.s32 $0x300;
	s23 =	simm.s32 $0xAC00  }
0x3a: {  	[tilespmem:s23], [sflag:$0x2] =	stream.indirect.gather [hbm4b:s5+s11], $0x38, s22, s11, $0xb8;
	[tilespmem:$0x1C400] =	vst v63  }
0x3b: {  	_ = 	snop  }
0x3c: {  	[tilespmem:s25], [sflag:$0x2] =	stream.indirect.gather [hbm4b:s5+s11], $0x38, s24, s11, $0xb8;
	[tilespmem:$0x1C400] =	vst v63  }
0x3d: {  	_ =	swait.ge [sflag:s26], $0x1C00  }
0x3e: {  	[sflag:s26] =	ssyncset.done $0x0  }
0x3f: {  	[sflag:s26] =	ssyncadd.s32 $0xFFFFE400  }
0x40: {  	s20 =	simm.s32 $0x0;
	_ =	swait.ge [sflag:s26], $0x1C00  }
0x41: {  	s21 =	simm.s32 $0x4;
	v1 =	vmov s20;
	[sflag:s26] =	ssyncset.done $0x0  }
0x42: {  	s13 =	simm.s32 $0x2;
	v40 =	vmul.u32 $0x38, v1;
	v1 =	vmov s21;
	[sflag:s26] =	ssyncadd.s32 $0xFFFFE400  }
0x43: {  	v3 =	vmov s13;
	s17 =	simm.s32 $0x6;
	v36 =	vmul.u32 $0x38, v1;
	_ =	swait.ge [sflag:s26], $0x1C00  }
0x44: {  	v16 =	vmovc v5;
	v37 =	vmul.u32 $0x38, v3;
	v5 =	vmov s17;
	v6 =	vor.u32 v0, v40;
	[sflag:s26] =	ssyncset.done $0x0  }
0x45: {  	v42 =	vmul.u32 $0x38, v5;
	v9 =	vor.u32 v0, v36;
	[sflag:s26] =	ssyncadd.s32 $0xFFFFE400  }
0x46: {  	v11 =	vor.u32 v0, v37;
	_ =	swait.ge [sflag:s26], $0x1C00  }
0x47: {  	v13 =	vor.u32 v0, v42;
	[sflag:s26] =	ssyncset.done $0x0  }
0x48: {  	[sflag:s26] =	ssyncadd.s32 $0xFFFFE400  }
0x49: {  	v14 =	vor.u32 s20, v26;
	v6 =	vld.idx.msk [tilespmem:v6+s12+$0x0], $0xffff  }
0x4a: {  	v35 =	vor.u32 s21, v53;
	v34 =	vor.u32 v2, v40;
	v9 =	vld.idx.msk [tilespmem:v9+s12+$0x0], $0xffff  }
0x4b: {  	v38 =	vor.u32 s13, v48;
	v39 =	vor.u32 v2, v36;
	v11 =	vld.idx.msk [tilespmem:v11+s12+$0x0], $0xffff  }
0x4c: {  	v43 =	vadd.s32 v2, v37;
	v41 =	vor.u32 s17, v63;
	v13 =	vld.idx.msk [tilespmem:v13+s12+$0x0], $0xffff;
	_ =	sdelay $0x1  }
0x4d: {  	v60 =	vadd.s32 v2, v42;
	[tilespmem:v14+s28+$0x0] =	vst.idx.msk $0xffff, v6  }
0x4e: {  	v14 =	vor.u32 s20, v27;
	[tilespmem:v35+s28+$0x0] =	vst.idx.msk $0xffff, v9;
	v6 =	vld.idx.msk [tilespmem:v34+s12+$0x0], $0xffff  }
0x4f: {  	v49 =	vor.u32 s21, v22;
	[tilespmem:v38+s28+$0x0] =	vst.idx.msk $0xffff, v11;
	v11 =	vor.u32 v4, v40;
	v21 =	vld.idx.msk [tilespmem:v39+s12+$0x0], $0xffff  }
0x50: {  	v51 =	vor.u32 s13, v24;
	v52 =	vadd.s32 v4, v36;
	[tilespmem:v41+s28+$0x0] =	vst.idx.msk $0xffff, v13;
	v13 =	vld.idx.msk [tilespmem:v43+s12+$0x0], $0xffff  }
0x51: {  	v3 =	vand.u32 $0x1FB, v3;
	v56 =	vadd.s32 v4, v37;
	v55 =	vor.u32 s17, v45  }
0x52: {  	s0 =	simm.s32 $0xE;
	v58 =	vor.u32 s17, v17;
	v46 =	vor.u32 v4, v42;
	v50 =	vor.u32 s21, v17;
	v54 =	vld.idx.msk [tilespmem:v60+s12+$0x0], $0xffff  }
0x53: {  	s2 =	simm.s32 $0xC;
	v1 =	vand.u32 $0x1FD, v1;
	v9 =	vor.u32 s13, v17;
	v41 =	vmov s0;
	[tilespmem:v14+s28+$0x0] =	vst.idx.msk $0xffff, v6  }
0x54: {  	v38 =	vmul.u32 $0x38, v50;
	v50 =	vmov s2;
	v14 =	vor.u32 s20, v30;
	[tilespmem:v49+s28+$0x0] =	vst.idx.msk $0xffff, v21;
	v11 =	vld.idx.msk [tilespmem:v11+s12+$0x0], $0xffff  }
0x55: {  	v9 =	vmul.u32 $0x38, v9;
	[tilespmem:v51+s28+$0x0] =	vst.idx.msk $0xffff, v13;
	v13 =	vor.u32 v33, v40;
	v49 =	vor.u32 s21, v23;
	v39 =	vld.idx.msk [tilespmem:v52+s12+$0x0], $0xffff  }
0x56: {  	s1 =	simm.s32 $0x8;
	v34 =	vmul.u32 $0x38, v41;
	v38 =	vadd.s32 v18, v38;
	v6 =	vor.u32 s13, v16;
	v59 =	vld.idx.msk [tilespmem:v56+s12+$0x0], $0xffff  }
0x57: {  	v9 =	vadd.s32 v18, v9;
	[tilespmem:v55+s28+$0x0] =	vst.idx.msk $0xffff, v54;
	v55 =	vmul.u32 $0x38, v58;
	v56 =	vmov s1  }
0x58: {  	s22 =	simm.s32 $0xA;
	v60 =	vor.u32 s17, v47;
	v46 =	vld.idx.msk [tilespmem:v46+s12+$0x0], $0xffff;
	v52 =	vor.u32 v0, v34;
	v35 =	vmul.u32 $0x38, v56  }
0x59: {  	v19 =	vmovc v45;
	v51 =	vmov s22;
	v21 =	vmul.u32 $0x38, v50;
	v45 =	vadd.s32 v18, v55;
	[tilespmem:v14+s28+$0x0] =	vst.idx.msk $0xffff, v11  }
0x5a: {  	v20 =	vmul.u32 $0x38, v51;
	v11 =	vor.u32 v0, v35;
	v14 =	vor.u32 s20, v7;
	[tilespmem:v49+s28+$0x0] =	vst.idx.msk $0xffff, v39;
	v13 =	vld.idx.msk [tilespmem:v13+s12+$0x0], $0xffff  }
0x5b: {  	v1 =	vor.u32 v7, v1;
	[tilespmem:v6+s28+$0x0] =	vst.idx.msk $0xffff, v59;
	v6 =	vld.idx.msk [tilespmem:v38+s12+$0x0], $0xffff;
	v38 =	vor.u32 v0, v21  }
0x5c: {  	v3 =	vor.u32 v7, v3;
	v58 =	vor.u32 v0, v20;
	v9 =	vld.idx.msk [tilespmem:v9+s12+$0x0], $0xffff  }
0x5d: {  	v5 =	vand.u32 $0x1FF, v5;
	[tilespmem:v60+s28+$0x0] =	vst.idx.msk $0xffff, v46;
	v49 =	vld.idx.msk [tilespmem:v52+s12+$0x0], $0xffff;
	v60 =	vor.u32 s0, v63  }
0x5e: {  	v15 =	vmov v44;
	v5 =	vor.u32 v7, v5;
	v43 =	vld.idx.msk [tilespmem:v45+s12+$0x0], $0xffff  }
0x5f: {  	v44 =	vadd.s32 v8, v37;
	v59 =	vor.u32 s2, v17;
	v45 =	vor.u32 s1, v26;
	v11 =	vld.idx.msk [tilespmem:v11+s12+$0x0], $0xffff;
	[tilespmem:v14+s28+$0x0] =	vst.idx.msk $0xffff, v13  }
0x60: {  	v13 =	vor.u32 v2, v35;
	v14 =	vmul.u32 $0x38, v59;
	[tilespmem:v1+s28+$0x0] =	vst.idx.msk $0xffff, v6;
	v1 =	vld.idx.msk [tilespmem:v38+s12+$0x0], $0xffff;
	v6 =	vor.u32 s2, v53  }
0x61: {  	v58 =	vld.idx.msk [tilespmem:v58+s12+$0x0], $0xffff;
	v59 =	vor.u32 s22, v48;
	[tilespmem:v3+s28+$0x0] =	vst.idx.msk $0xffff, v9;
	v3 =	vor.u32 v2, v21  }
0x62: {  	[tilespmem:v60+s28+$0x0] =	vst.idx.msk $0xffff, v49;
	v9 =	vadd.s32 v18, v14;
	v14 =	vadd.s32 v2, v20  }
0x63: {  	v56 =	vadd.s32 v2, v34;
	[tilespmem:v5+s28+$0x0] =	vst.idx.msk $0xffff, v43  }
0x64: {  	v32 =	vmov v16;
	v43 =	vld.idx.msk [tilespmem:v44+s12+$0x0], $0xffff;
	v44 =	vor.u32 s13, v15;
	[tilespmem:v45+s28+$0x0] =	vst.idx.msk $0xffff, v11;
	v11 =	vadd.s32 v8, v40  }
0x65: {  	v16 =	vmov v33;
	v60 =	vadd.s32 v10, v37;
	v45 =	vor.u32 s1, v27;
	v13 =	vld.idx.msk [tilespmem:v13+s12+$0x0], $0xffff;
	[tilespmem:v6+s28+$0x0] =	vst.idx.msk $0xffff, v1  }
0x66: {  	v33 =	vmov v24;
	v39 =	vor.u32 s2, v22;
	v1 =	vor.u32 v4, v35;
	[tilespmem:v59+s28+$0x0] =	vst.idx.msk $0xffff, v58;
	v3 =	vld.idx.msk [tilespmem:v3+s12+$0x0], $0xffff  }
0x67: {  	v38 =	vadd.s32 v8, v36;
	v6 =	vand.u32 $0x1FB, v51;
	v51 =	vor.u32 s22, v33;
	v14 =	vld.idx.msk [tilespmem:v14+s12+$0x0], $0xffff  }
0x68: {  	v46 =	vld.idx.msk [tilespmem:v56+s12+$0x0], $0xffff  }
0x69: {  	v54 =	vadd.s32 v4, v21;
	v55 =	vor.u32 s0, v19;
	[tilespmem:v44+s28+$0x0] =	vst.idx.msk $0xffff, v43;
	v11 =	vld.idx.msk [tilespmem:v11+s12+$0x0], $0xffff  }
0x6a: {  	v56 =	vadd.s32 v4, v20;
	v58 =	vadd.s32 v8, v42;
	[tilespmem:v45+s28+$0x0] =	vst.idx.msk $0xffff, v13;
	v45 =	vld.idx.msk [tilespmem:v60+s12+$0x0], $0xffff  }
0x6b: {  	v29 =	vmov v30;
	v44 =	vor.u32 s20, v28;
	v13 =	vor.u32 v4, v34;
	v1 =	vld.idx.msk [tilespmem:v1+s12+$0x0], $0xffff;
	[tilespmem:v39+s28+$0x0] =	vst.idx.msk $0xffff, v3  }
0x6c: {  	v43 =	vor.u32 s22, v32;
	v32 =	vmovc v28;
	v28 =	vmov v57;
	v57 =	vor.u32 s13, v57;
	v3 =	vld.idx.msk [tilespmem:v38+s12+$0x0], $0xffff;
	[tilespmem:v51+s28+$0x0] =	vst.idx.msk $0xffff, v14  }
0x6d: {  	v60 =	vor.u32 s1, v29;
	v14 =	vor.u32 v16, v35;
	v16 =	vld [tilespmem:$0x1FF00]  }
0x6e: {  	v38 =	vld.idx.msk [tilespmem:v54+s12+$0x0], $0xffff;
	[tilespmem:v55+s28+$0x0] =	vst.idx.msk $0xffff, v46;
	v55 =	vor.u32 s2, v23  }
0x6f: {  	v54 =	vld.idx.msk [tilespmem:v56+s12+$0x0], $0xffff  }
0x70: {  	[tilespmem:v44+s28+$0x0] =	vst.idx.msk $0xffff, v11;
	v44 =	vor.u32 s0, v47;
	v13 =	vld.idx.msk [tilespmem:v13+s12+$0x0], $0xffff  }
0x71: {  	v56 =	vor.u32 s17, v62;
	[tilespmem:v57+s28+$0x0] =	vst.idx.msk $0xffff, v45;
	v45 =	vld.idx.msk [tilespmem:v58+s12+$0x0], $0xffff  }
0x72: {  	[tilespmem:v60+s28+$0x0] =	vst.idx.msk $0xffff, v1;
	v51 =	vor.u32 s21, v16  }
0x73: {  	[tilespmem:v55+s28+$0x0] =	vst.idx.msk $0xffff, v38  }
0x74: {  	v37 =	vadd.s32 v12, v37;
	v5 =	vor.u32 s22, v17;
	[tilespmem:v43+s28+$0x0] =	vst.idx.msk $0xffff, v54  }
0x75: {  	v52 =	vadd.s32 v12, v36;
	v5 =	vmul.u32 $0x38, v5;
	[tilespmem:v44+s28+$0x0] =	vst.idx.msk $0xffff, v13  }
0x76: {  	v59 =	vor.u32 s13, v25;
	s13 =	simm.s32 $0x16;
	v46 =	vadd.s32 v10, v36;
	v36 =	vor.u32 s0, v17;
	[tilespmem:v56+s28+$0x0] =	vst.idx.msk $0xffff, v45  }
0x77: {  	v19 =	vmov s13;
	v39 =	vmul.u32 $0x38, v36;
	[tilespmem:v51+s28+$0x0] =	vst.idx.msk $0xffff, v3  }
0x78: {  	v5 =	vadd.s32 v18, v5;
	v36 =	vmul.u32 $0x38, v19;
	v11 =	vld [tilespmem:$0x1FF10]  }
0x79: {  	v1 =	vadd.s32 v18, v39;
	v60 =	vld.idx.msk [tilespmem:v37+s12+$0x0], $0xffff  }
0x7a: {  	s14 =	simm.s32 $0x10;
	v58 =	vor.u32 v0, v36;
	v14 =	vld.idx.msk [tilespmem:v14+s12+$0x0], $0xffff  }
0x7b: {  	v24 =	vmov v47;
	v47 =	vmov s14;
	v57 =	vor.u32 s1, v7;
	v9 =	vld.idx.msk [tilespmem:v9+s12+$0x0], $0xffff  }
0x7c: {  	s16 =	simm.s32 $0x14;
	v50 =	vand.u32 $0x1FD, v50;
	v15 =	vmovc v61;
	v61 =	vor.u32 s21, v61;
	v39 =	vmul.u32 $0x38, v47;
	v46 =	vld.idx.msk [tilespmem:v46+s12+$0x0], $0xffff  }
0x7d: {  	v47 =	vor.u32 s16, v17;
	v5 =	vld.idx.msk [tilespmem:v5+s12+$0x0], $0xffff;
	v3 =	vor.u32 v7, v50;
	v11 =	vor.u32 s21, v11  }
0x7e: {  	v41 =	vand.u32 $0x1FF, v41;
	v6 =	vor.u32 v7, v6;
	v54 =	vmul.u32 $0x38, v47;
	v1 =	vld.idx.msk [tilespmem:v1+s12+$0x0], $0xffff;
	[tilespmem:$0x1FE60] =	vst v11  }
0x7f: {  	v49 =	vadd.s32 v10, v40;
	v45 =	vor.u32 v7, v41;
	v44 =	vld.idx.msk [tilespmem:v58+s12+$0x0], $0xffff;
	[tilespmem:v59+s28+$0x0] =	vst.idx.msk $0xffff, v60  }
0x80: {  	v55 =	vor.u32 v0, v39;
	v41 =	vadd.s32 v18, v54;
	v54 =	vor.u32 s13, v63;
	v11 =	vld [tilespmem:$0x1FFA0];
	[tilespmem:v57+s28+$0x0] =	vst.idx.msk $0xffff, v14  }
0x81: {  	[tilespmem:v61+s28+$0x0] =	vst.idx.msk $0xffff, v46  }
0x82: {  	[tilespmem:v3+s28+$0x0] =	vst.idx.msk $0xffff, v9  }
0x83: {  	s15 =	simm.s32 $0x12;
	[tilespmem:v6+s28+$0x0] =	vst.idx.msk $0xffff, v5  }
0x84: {  	v25 =	vmov v62;
	v62 =	vmov s15;
	v58 =	vor.u32 s20, v31;
	v14 =	vld.idx.msk [tilespmem:v49+s12+$0x0], $0xffff;
	[tilespmem:v45+s28+$0x0] =	vst.idx.msk $0xffff, v1  }
0x85: {  	v37 =	vmul.u32 $0x38, v62;
	v50 =	vmov s16;
	v55 =	vld.idx.msk [tilespmem:v55+s12+$0x0], $0xffff;
	v59 =	vor.u32 s14, v26;
	[tilespmem:v54+s28+$0x0] =	vst.idx.msk $0xffff, v44  }
0x86: {  	v38 =	vmul.u32 $0x38, v50;
	v5 =	vld [tilespmem:$0x1FEA0]  }
0x87: {  	v43 =	vor.u32 v0, v37  }
0x88: {  	v13 =	vor.u32 v0, v38  }
0x89: {  	v30 =	vadd.s32 v10, v42;
	[tilespmem:v58+s28+$0x0] =	vst.idx.msk $0xffff, v14  }
0x8a: {  	[tilespmem:v59+s28+$0x0] =	vst.idx.msk $0xffff, v55  }
0x8b: {  	v57 =	vadd.s32 v2, v36;
	v61 =	vor.u32 s16, v53;
	v53 =	vor.u32 s17, v5;
	v5 =	vld [tilespmem:$0x1FEB0]  }
0x8c: {  	v47 =	vadd.s32 v8, v20;
	v43 =	vld.idx.msk [tilespmem:v43+s12+$0x0], $0xffff  }
0x8d: {  	v60 =	vor.u32 v2, v39;
	v13 =	vld.idx.msk [tilespmem:v13+s12+$0x0], $0xffff;
	v3 =	vor.u32 s15, v48  }
0x8e: {  	v1 =	vld.idx.msk [tilespmem:v30+s12+$0x0], $0xffff  }
0x8f: {  	v49 =	vor.u32 s15, v17;
	v52 =	vld.idx.msk [tilespmem:v52+s12+$0x0], $0xffff  }
0x90: {  	v46 =	vmul.u32 $0x38, v49;
	v49 =	vld.idx.msk [tilespmem:v57+s12+$0x0], $0xffff;
	v14 =	vor.u32 s13, v5;
	v5 =	vand.u32 $0x1FD, v50  }
0x91: {  	v58 =	vld.idx.msk [tilespmem:v47+s12+$0x0], $0xffff;
	[tilespmem:$0x1FE80] =	vst v5  }
0x92: {  	v5 =	vadd.s32 v8, v21;
	v60 =	vld.idx.msk [tilespmem:v60+s12+$0x0], $0xffff;
	[tilespmem:v3+s28+$0x0] =	vst.idx.msk $0xffff, v43  }
0x93: {  	v3 =	vld [tilespmem:$0x1FF30];
	[tilespmem:$0x1FE70] =	vst v5  }
0x94: {  	v5 =	vld [tilespmem:$0x1FF80];
	[tilespmem:v61+s28+$0x0] =	vst.idx.msk $0xffff, v13  }
0x95: {  	[tilespmem:v53+s28+$0x0] =	vst.idx.msk $0xffff, v1  }
0x96: {  	v1 =	vld [tilespmem:$0x1FE60];
	_ =	sdelay $0x1  }
0x97: {  	v9 =	vadd.s32 v2, v37;
	_ =	sdelay $0x2  }
0x98: {  	v3 =	vor.u32 s22, v3  }
0x99: {  	v44 =	vand.u32 $0x1FB, v62;
	v62 =	vor.u32 s14, v27;
	v61 =	vadd.s32 v10, v20  }
0x9a: {  	v6 =	vor.u32 s15, v33;
	v57 =	vld.idx.msk [tilespmem:v9+s12+$0x0], $0xffff;
	v45 =	vor.u32 s15, v5;
	v5 =	vor.u32 v4, v39  }
0x9b: {  	[tilespmem:v1+s28+$0x0] =	vst.idx.msk $0xffff, v52  }
0x9c: {  	v1 =	vmov v15;
	v15 =	vld [tilespmem:$0x1FE90];
	[tilespmem:v14+s28+$0x0] =	vst.idx.msk $0xffff, v49  }
0x9d: {  	v14 =	vld [tilespmem:$0x1FF40];
	[tilespmem:v3+s28+$0x0] =	vst.idx.msk $0xffff, v58  }
0x9e: {  	[tilespmem:v62+s28+$0x0] =	vst.idx.msk $0xffff, v60;
	v3 =	vld.idx.msk [tilespmem:v61+s12+$0x0], $0xffff  }
0x9f: {  	v29 =	vmov v11;
	v51 =	vor.u32 s20, v11;
	v11 =	vor.u32 v2, v38;
	[tilespmem:v6+s28+$0x0] =	vst.idx.msk $0xffff, v57;
	v61 =	vld.idx.msk [tilespmem:v5+s12+$0x0], $0xffff  }
0xa0: {  	v5 =	vld [tilespmem:$0x1FFC0];
	_ =	sdelay $0x3  }
0xa1: {  	v9 =	vor.u32 s16, v22;
	v11 =	vld.idx.msk [tilespmem:v11+s12+$0x0], $0xffff  }
0xa2: {  	v13 =	vmovc v28;
	v28 =	vmovc v32;
	v22 =	vor.u32 s1, v32;
	v32 =	vmov v5;
	v6 =	vor.u32 s14, v5;
	v5 =	vld [tilespmem:$0x1FFF0];
	_ =	sdelay $0x1  }
0xa3: {  	v54 =	vadd.s32 v12, v42  }
0xa4: {  	v55 =	vadd.s32 v8, v35  }
0xa5: {  	[tilespmem:v9+s28+$0x0] =	vst.idx.msk $0xffff, v11  }
0xa6: {  	v30 =	vmov v33;
	v33 =	vmov v5;
	v58 =	vor.u32 v5, v39;
	v5 =	vld [tilespmem:$0x1FE70]  }
0xa7: {  	v56 =	vadd.s32 v12, v40  }
0xa8: {  	v63 =	vld.idx.msk [tilespmem:v54+s12+$0x0], $0xffff;
	v52 =	vor.u32 s22, v14;
	v14 =	vadd.s32 v4, v37  }
0xa9: {  	v48 =	vor.u32 s17, v15;
	v15 =	vld.idx.msk [tilespmem:v55+s12+$0x0], $0xffff  }
0xaa: {  	v40 =	vadd.s32 v12, v21;
	v43 =	vand.u32 $0x1FF, v19;
	v19 =	vadd.s32 v4, v38;
	v9 =	vld [tilespmem:$0x1FE80]  }
0xab: {  	v42 =	vadd.s32 v10, v34;
	v50 =	vadd.s32 v10, v35;
	v53 =	vadd.s32 v8, v34  }
0xac: {  	v59 =	vor.u32 s22, v13;
	v13 =	vor.u32 v4, v36;
	v49 =	vor.u32 s2, v1;
	v1 =	vld.idx.msk [tilespmem:v56+s12+$0x0], $0xffff  }
0xad: {  	v56 =	vadd.s32 v10, v21;
	v57 =	vor.u32 s0, v25;
	v55 =	vor.u32 s14, v7;
	v11 =	vld.idx.msk [tilespmem:v14+s12+$0x0], $0xffff  }
0xae: {  	v62 =	vadd.s32 v12, v20;
	v14 =	vor.u32 s16, v23;
	[tilespmem:v48+s28+$0x0] =	vst.idx.msk $0xffff, v63;
	v63 =	vor.u32 s13, v24;
	v60 =	vld.idx.msk [tilespmem:v5+s12+$0x0], $0xffff  }
0xaf: {  	s20 =	simm.s32 $0x1E;
	s17 =	simm.s32 $0x8;
	[tilespmem:v22+s28+$0x0] =	vst.idx.msk $0xffff, v15;
	v48 =	vor.u32 s13, v17;
	v54 =	vor.u32 v7, v9;
	v9 =	vor.u32 s2, v16;
	v5 =	vld.idx.msk [tilespmem:v19+s12+$0x0], $0xffff  }
.LBB2_3:
0xb0: {  	_ =	sdelay $0x1  }
0xb1: {  	v13 =	vld.idx.msk [tilespmem:v13+s12+$0x0], $0xffff;
	[tilespmem:v51+s28+$0x0] =	vst.idx.msk $0xffff, v1  }
0xb2: {  	v23 =	vmul.u32 $0x38, v48;
	[tilespmem:v59+s28+$0x0] =	vst.idx.msk $0xffff, v3  }
0xb3: {  	[tilespmem:v6+s28+$0x0] =	vst.idx.msk $0xffff, v61  }
0xb4: {  	v3 =	vld.idx.msk [tilespmem:v53+s12+$0x0], $0xffff;
	v6 =	vadd.s32 v18, v23;
	[tilespmem:v9+s28+$0x0] =	vst.idx.msk $0xffff, v60  }
0xb5: {  	v15 =	vmov s20;
	v59 =	vld.idx.msk [tilespmem:v62+s12+$0x0], $0xffff;
	[tilespmem:v14+s28+$0x0] =	vst.idx.msk $0xffff, v5  }
0xb6: {  	s22 =	sadd.s32 $0xFFFFFFFA, s20;
	s21 =	sadd.s32 $0xFFFFFFFC, s20;
	v19 =	vmul.u32 $0x38, v15;
	[tilespmem:v63+s28+$0x0] =	vst.idx.msk $0xffff, v13;
	v13 =	vor.u32 v7, v43;
	v43 =	vand.u32 $0x1FF, v15;
	v15 =	vld [tilespmem:$0x1FEE0]  }
0xb7: {  	v16 =	vadd.s32 v18, v46;
	s23 =	sadd.s32 $0xFFFFFFFE, s20;
	v1 =	vmov s22;
	v21 =	vmov s21;
	v5 =	vld.idx.msk [tilespmem:v56+s12+$0x0], $0xffff  }
0xb8: {  	v22 =	vmov s23;
	v47 =	vmul.u32 $0x38, v1;
	v1 =	vor.u32 s21, v17;
	[tilespmem:v45+s28+$0x0] =	vst.idx.msk $0xffff, v11;
	v11 =	vld.idx.msk [tilespmem:v41+s12+$0x0], $0xffff  }
0xb9: {  	v48 =	vmovc v37;
	v37 =	vmul.u32 $0x38, v21;
	v53 =	vmovc v38;
	v38 =	vmul.u32 $0x38, v22;
	v23 =	vor.u32 s23, v17;
	v6 =	vld.idx.msk [tilespmem:v6+s12+$0x0], $0xffff  }
0xba: {  	v46 =	vmul.u32 $0x38, v1;
	v62 =	vor.u32 v0, v19;
	v1 =	vmul.u32 $0x38, v23;
	[tilespmem:v57+s28+$0x0] =	vst.idx.msk $0xffff, v3;
	v3 =	vld [tilespmem:$0x1FF80]  }
0xbb: {  	v63 =	vld [tilespmem:$0x1FF50];
	v56 =	vor.u32 v0, v38  }
0xbc: {  	v14 =	vor.u32 v0, v37;
	v16 =	vld.idx.msk [tilespmem:v16+s12+$0x0], $0xffff;
	v41 =	vadd.s32 v18, v1;
	v1 =	vor.u32 v7, v44;
	_ =	sdelay $0x1  }
0xbd: {  	v58 =	vld.idx.msk [tilespmem:v58+s12+$0x0], $0xffff;
	[tilespmem:v49+s28+$0x0] =	vst.idx.msk $0xffff, v5  }
0xbe: {  	v15 =	vor.u32 s20, v15;
	[tilespmem:v54+s28+$0x0] =	vst.idx.msk $0xffff, v11;
	v45 =	vor.u32 s21, v3;
	v3 =	vld.idx.msk [tilespmem:v62+s12+$0x0], $0xffff  }
0xbf: {  	[tilespmem:v52+s28+$0x0] =	vst.idx.msk $0xffff, v59;
	v23 =	vor.u32 s23, v63;
	v54 =	vld.idx.msk [tilespmem:v56+s12+$0x0], $0xffff  }
0xc0: {  	v14 =	vld.idx.msk [tilespmem:v14+s12+$0x0], $0xffff;
	[tilespmem:v1+s28+$0x0] =	vst.idx.msk $0xffff, v16;
	v1 =	vor.u32 v2, v38  }
0xc1: {  	v16 =	vld [tilespmem:$0x1FEA0];
	[tilespmem:v13+s28+$0x0] =	vst.idx.msk $0xffff, v6  }
0xc2: {  	v13 =	vld.idx.msk [tilespmem:v42+s12+$0x0], $0xffff  }
0xc3: {  	[tilespmem:v15+s28+$0x0] =	vst.idx.msk $0xffff, v3;
	v3 =	vld.idx.msk [tilespmem:v40+s12+$0x0], $0xffff  }
0xc4: {  	v15 =	vld [tilespmem:$0x1FF10];
	[tilespmem:v23+s28+$0x0] =	vst.idx.msk $0xffff, v54  }
0xc5: {  	v60 =	vadd.s32 v2, v19;
	v63 =	vld.idx.msk [tilespmem:v1+s12+$0x0], $0xffff  }
0xc6: {  	v16 =	vor.u32 s0, v16;
	v1 =	vld [tilespmem:$0x1FF60];
	_ =	sdelay $0x1  }
0xc7: {  	v9 =	vor.u32 v0, v47  }
0xc8: {  	v51 =	vand.u32 $0x1FB, v21;
	v21 =	vld [tilespmem:$0x1FF90]  }
0xc9: {  	[tilespmem:v55+s28+$0x0] =	vst.idx.msk $0xffff, v58;
	v55 =	vld.idx.msk [tilespmem:v60+s12+$0x0], $0xffff;
	v15 =	vor.u32 s2, v15;
	s2 =	smov.u32 s16;
	s16 =	smov.u32 s23  }
0xca: {  	[tilespmem:v16+s28+$0x0] =	vst.idx.msk $0xffff, v13;
	v16 =	vor.u32 s16, v1;
	v1 =	vld [tilespmem:$0x1FE90]  }
0xcb: {  	v61 =	vor.u32 s1, v31;
	v52 =	vadd.s32 v8, v48;
	v50 =	vld.idx.msk [tilespmem:v50+s12+$0x0], $0xffff  }
0xcc: {  	v44 =	vmov v51;
	v51 =	vor.u32 s22, v26;
	v9 =	vld.idx.msk [tilespmem:v9+s12+$0x0], $0xffff  }
0xcd: {  	v62 =	vor.u32 s21, v21;
	_ =	sdelay $0x1  }
0xce: {  	v20 =	vand.u32 $0x1FD, v22;
	v22 =	vor.u32 s0, v1;
	v1 =	vld [tilespmem:$0x1FF40]  }
0xcf: {  	v57 =	vld.idx.msk [tilespmem:v52+s12+$0x0], $0xffff;
	[tilespmem:v61+s28+$0x0] =	vst.idx.msk $0xffff, v50  }
0xd0: {  	v5 =	vor.u32 v2, v47;
	[tilespmem:v51+s28+$0x0] =	vst.idx.msk $0xffff, v9;
	v9 =	vld [tilespmem:$0x1FEB0]  }
0xd1: {  	v11 =	vadd.s32 v2, v37;
	[tilespmem:v62+s28+$0x0] =	vst.idx.msk $0xffff, v14;
	v14 =	vld [tilespmem:$0x1FF30]  }
0xd2: {  	v58 =	vadd.s32 v12, v34  }
0xd3: {  	v52 =	vor.u32 s15, v1;
	v1 =	vld [tilespmem:$0x1FEF0]  }
0xd4: {  	v50 =	vadd.s32 v8, v39  }
0xd5: {  	v5 =	vld.idx.msk [tilespmem:v5+s12+$0x0], $0xffff;
	v9 =	vor.u32 s20, v9  }
0xd6: {  	v11 =	vld.idx.msk [tilespmem:v11+s12+$0x0], $0xffff;
	v14 =	vor.u32 s15, v14  }
0xd7: {  	[tilespmem:v15+s28+$0x0] =	vst.idx.msk $0xffff, v3;
	v15 =	vld.idx.msk [tilespmem:v58+s12+$0x0], $0xffff  }
0xd8: {  	v6 =	vadd.s32 v12, v35;
	v49 =	vor.u32 s2, v1;
	v1 =	vld [tilespmem:$0x1FF20]  }
0xd9: {  	v34 =	vmovc v36;
	v42 =	vadd.s32 v10, v36;
	v36 =	vmov v19;
	v19 =	vor.u32 s22, v27;
	v23 =	vld.idx.msk [tilespmem:v50+s12+$0x0], $0xffff  }
0xda: {  	v54 =	vadd.s32 v10, v48;
	[tilespmem:v9+s28+$0x0] =	vst.idx.msk $0xffff, v55;
	v9 =	vld [tilespmem:$0x1FF00]  }
0xdb: {  	v62 =	vor.u32 s21, v30;
	v60 =	vadd.s32 v8, v53;
	[tilespmem:v14+s28+$0x0] =	vst.idx.msk $0xffff, v57;
	v14 =	vld [tilespmem:$0x1FF70]  }
0xdc: {  	v24 =	vadd.s32 v4, v37;
	v56 =	vadd.s32 v10, v53;
	[tilespmem:v22+s28+$0x0] =	vst.idx.msk $0xffff, v15;
	v15 =	vld [tilespmem:$0x1FEC0]  }
0xdd: {  	s17 =	sadd.s32 $0x4, s17;
	v35 =	vmovc v39;
	v39 =	vor.u32 v4, v47;
	v51 =	vor.u32 s1, v29;
	s1 =	smov.u32 s14;
	v59 =	vor.u32 s15, v1;
	v1 =	vld.idx.msk [tilespmem:v6+s12+$0x0], $0xffff  }
0xde: {  	p0 =	slt.u32 s17, $0xFC;
	v21 =	vadd.s32 v4, v38;
	v25 =	vor.u32 s1, v28;
	v40 =	vadd.s32 v12, v53;
	[tilespmem:v19+s28+$0x0] =	vst.idx.msk $0xffff, v5;
	v5 =	vld [tilespmem:$0x1FED0]  }
.Ltmp0:
0xdf: {  	v53 =	vadd.s32 v8, v34;
	v50 =	vadd.s32 v10, v35;
	v3 =	vld.idx.msk [tilespmem:v54+s12+$0x0], $0xffff;
	[tilespmem:v16+s28+$0x0] =	vst.idx.msk $0xffff, v63;
	(pc) =	sbr.rel @p0 .LBB2_3-.Ltmp0, $4  }
0xe0: {  	v13 =	vor.u32 v4, v36;
	v58 =	vor.u32 v33, v47;
	s0 =	smov.u32 s13;
	s13 =	smov.u32 s20;
	[tilespmem:v62+s28+$0x0] =	vst.idx.msk $0xffff, v11;
	v60 =	vld.idx.msk [tilespmem:v60+s12+$0x0], $0xffff  }
0xe1: {  	v62 =	vadd.s32 v12, v48;
	v54 =	vor.u32 v7, v20;
	v11 =	vld.idx.msk [tilespmem:v24+s12+$0x0], $0xffff;
	v48 =	vor.u32 s13, v17  }
0xe2: {  	s14 =	smov.u32 s22;
	v9 =	vor.u32 s2, v9;
	v14 =	vor.u32 s16, v14;
	v63 =	vor.u32 s13, v15;
	v61 =	vld.idx.msk [tilespmem:v39+s12+$0x0], $0xffff  }
0xe3: {  	v55 =	vor.u32 s14, v7;
	s20 =	sadd.s32 $0x8, s20;
	s15 =	smov.u32 s21;
	v6 =	vor.u32 s14, v32;
	[tilespmem:v25+s28+$0x0] =	vst.idx.msk $0xffff, v23;
	v39 =	vmovc v47;
	v57 =	vor.u32 s0, v5;
	v5 =	vld.idx.msk [tilespmem:v21+s12+$0x0], $0xffff  }
0xe4: {  	_ =	sdelay $0x2  }
0xe5: {  	v15 =	vadd.s32 v18, v46  }
0xe6: {  	[tilespmem:v51+s28+$0x0] =	vst.idx.msk $0xffff, v1  }
0xe7: {  	v16 =	vmul.u32 $0x38, v48;
	v13 =	vld.idx.msk [tilespmem:v13+s12+$0x0], $0xffff;
	[tilespmem:v59+s28+$0x0] =	vst.idx.msk $0xffff, v3  }
0xe8: {  	v3 =	vld.idx.msk [tilespmem:v53+s12+$0x0], $0xffff;
	[tilespmem:v45+s28+$0x0] =	vst.idx.msk $0xffff, v11  }
0xe9: {  	v1 =	vadd.s32 v18, v16;
	[tilespmem:v6+s28+$0x0] =	vst.idx.msk $0xffff, v61;
	v6 =	vld.idx.msk [tilespmem:v62+s12+$0x0], $0xffff  }
0xea: {  	v11 =	vor.u32 v7, v44;
	[tilespmem:v14+s28+$0x0] =	vst.idx.msk $0xffff, v5;
	v5 =	vld.idx.msk [tilespmem:v15+s12+$0x0], $0xffff  }
0xeb: {  	[tilespmem:v9+s28+$0x0] =	vst.idx.msk $0xffff, v60;
	v14 =	vld.idx.msk [tilespmem:v41+s12+$0x0], $0xffff  }
0xec: {  	[tilespmem:v63+s28+$0x0] =	vst.idx.msk $0xffff, v13  }
0xed: {  	[tilespmem:v57+s28+$0x0] =	vst.idx.msk $0xffff, v3  }
0xee: {  	v9 =	vor.u32 v7, v43;
	v1 =	vld.idx.msk [tilespmem:v1+s12+$0x0], $0xffff;
	[tilespmem:v52+s28+$0x0] =	vst.idx.msk $0xffff, v6  }
0xef: {  	v16 =	vld.idx.msk [tilespmem:v58+s12+$0x0], $0xffff;
	[tilespmem:v11+s28+$0x0] =	vst.idx.msk $0xffff, v5  }
0xf0: {  	v19 =	vld.idx.msk [tilespmem:v56+s12+$0x0], $0xffff;
	[tilespmem:v54+s28+$0x0] =	vst.idx.msk $0xffff, v14  }
0xf1: {  	v13 =	vadd.s32 v8, v37;
	v43 =	vld [tilespmem:$0x1FF30]  }
0xf2: {  	v20 =	vld.idx.msk [tilespmem:v50+s12+$0x0], $0xffff;
	v21 =	vor.u32 s1, v31  }
0xf3: {  	v22 =	vld.idx.msk [tilespmem:v42+s12+$0x0], $0xffff;
	[tilespmem:v9+s28+$0x0] =	vst.idx.msk $0xffff, v1  }
0xf4: {  	v15 =	vadd.s32 v8, v38;
	v52 =	vld [tilespmem:$0x1FF00];
	[tilespmem:v55+s28+$0x0] =	vst.idx.msk $0xffff, v16  }
0xf5: {  	v3 =	vadd.s32 v8, v36;
	v53 =	vld [tilespmem:$0x1FED0]  }
0xf6: {  	v6 =	vadd.s32 v8, v39;
	v5 =	vld.idx.msk [tilespmem:v13+s12+$0x0], $0xffff;
	[tilespmem:v49+s28+$0x0] =	vst.idx.msk $0xffff, v19;
	v11 =	vor.u32 s15, v43  }
0xf7: {  	v51 =	vld [tilespmem:$0x1FEA0];
	[tilespmem:v21+s28+$0x0] =	vst.idx.msk $0xffff, v20  }
0xf8: {  	v55 =	vld [tilespmem:$0x1FF10]  }
0xf9: {  	v9 =	vld.idx.msk [tilespmem:v15+s12+$0x0], $0xffff;
	v13 =	vor.u32 s16, v52  }
0xfa: {  	v3 =	vld.idx.msk [tilespmem:v3+s12+$0x0], $0xffff;
	v15 =	vor.u32 s13, v53  }
0xfb: {  	v1 =	vadd.s32 v10, v37;
	v6 =	vld.idx.msk [tilespmem:v6+s12+$0x0], $0xffff;
	v19 =	vor.u32 s14, v28;
	[tilespmem:v11+s28+$0x0] =	vst.idx.msk $0xffff, v5  }
0xfc: {  	v16 =	vadd.s32 v10, v36;
	v23 =	vor.u32 s0, v51;
	v62 =	vld [tilespmem:$0x1FF20]  }
0xfd: {  	v25 =	vadd.s32 v12, v34;
	v54 =	vld.idx.msk [tilespmem:v40+s12+$0x0], $0xffff;
	v24 =	vor.u32 s2, v55  }
0xfe: {  	[tilespmem:v13+s28+$0x0] =	vst.idx.msk $0xffff, v9  }
0xff: {  	v20 =	vadd.s32 v10, v39;
	v59 =	vld [tilespmem:$0x1FEF0];
	[tilespmem:v15+s28+$0x0] =	vst.idx.msk $0xffff, v3  }
0x100: {  	v14 =	vadd.s32 v10, v38;
	v1 =	vld.idx.msk [tilespmem:v1+s12+$0x0], $0xffff;
	[tilespmem:v19+s28+$0x0] =	vst.idx.msk $0xffff, v6  }
0x101: {  	v5 =	vadd.s32 v12, v35;
	v6 =	vld.idx.msk [tilespmem:v16+s12+$0x0], $0xffff;
	[tilespmem:v23+s28+$0x0] =	vst.idx.msk $0xffff, v22;
	v11 =	vor.u32 s15, v62  }
0x102: {  	v13 =	vadd.s32 v12, v37;
	[tilespmem:v24+s28+$0x0] =	vst.idx.msk $0xffff, v54;
	v37 =	vld.idx.msk [tilespmem:v25+s12+$0x0], $0xffff  }
0x103: {  	v15 =	vor.u32 s13, v51;
	v25 =	vld [tilespmem:$0x1FE90]  }
0x104: {  	v19 =	vor.u32 s14, v31;
	v16 =	vld.idx.msk [tilespmem:v20+s12+$0x0], $0xffff;
	v20 =	vadd.s32 v12, v36  }
0x105: {  	v39 =	vadd.s32 v12, v39;
	v14 =	vld.idx.msk [tilespmem:v14+s12+$0x0], $0xffff;
	v9 =	vor.u32 s16, v59  }
0x106: {  	v3 =	vadd.s32 v12, v38;
	v5 =	vld.idx.msk [tilespmem:v5+s12+$0x0], $0xffff;
	[tilespmem:v11+s28+$0x0] =	vst.idx.msk $0xffff, v1  }
0x107: {  	v24 =	vor.u32 s1, v29;
	v60 =	vld [tilespmem:$0x1FF40]  }
0x108: {  	v38 =	vor.u32 s0, v25;
	v11 =	vld.idx.msk [tilespmem:v13+s12+$0x0], $0xffff;
	[tilespmem:v15+s28+$0x0] =	vst.idx.msk $0xffff, v6  }
0x109: {  	[tilespmem:v19+s28+$0x0] =	vst.idx.msk $0xffff, v16;
	v13 =	vor.u32 s13, v25;
	v6 =	vld.idx.msk [tilespmem:v20+s12+$0x0], $0xffff  }
0x10a: {  	[tilespmem:v9+s28+$0x0] =	vst.idx.msk $0xffff, v14;
	v14 =	vor.u32 s14, v29;
	v15 =	vld.idx.msk [tilespmem:v39+s12+$0x0], $0xffff  }
0x10b: {  	v9 =	vor.u32 s16, v55;
	v3 =	vld.idx.msk [tilespmem:v3+s12+$0x0], $0xffff  }
0x10c: {  	[tilespmem:v24+s28+$0x0] =	vst.idx.msk $0xffff, v5;
	v1 =	vor.u32 s15, v60  }
0x10d: {  	[tilespmem:v38+s28+$0x0] =	vst.idx.msk $0xffff, v37  }
0x10e: {  	[tilespmem:v13+s28+$0x0] =	vst.idx.msk $0xffff, v6  }
0x10f: {  	[tilespmem:v14+s28+$0x0] =	vst.idx.msk $0xffff, v15  }
0x110: {  	s22 =	rddreg [dreg:$0x2];
	[tilespmem:v9+s28+$0x0] =	vst.idx.msk $0xffff, v3  }
0x111: {  	s0 =	sadd.s32 s22, s9;
	[tilespmem:v1+s28+$0x0] =	vst.idx.msk $0xffff, v11  }
0x112: {  	[hbm4b:s0+s18] =	stream.strided.scatter [tilespmem:s28], [sflag:$0x3], $0x6400, s29, s18, $0x38;
	[tilespmem:$0x1C400] =	vst v63  }
0x113: {  	_ =	swait.ge [sflag:s10], $0x6400  }
0x114: {  	[sflag:s10] =	ssyncset.done $0x0  }
0x115: {  	[sflag:s10] =	ssyncadd.s32 $0xFFFF9C00  }
0x116: {  	_ =	swait.ge [sflag:s30], $0x1C00  }
0x117: {  	[sflag:s30] =	ssyncset.done $0x0  }
0x118: {  	[sflag:s30] =	ssyncadd.s32 $0xFFFFE400  }
0x119: {  	_ =	swait.ge [sflag:s30], $0x1C00  }
0x11a: {  	[sflag:s30] =	ssyncset.done $0x0  }
0x11b: {  	s17 =	simm.s32 $0x0;
	[sflag:s30] =	ssyncadd.s32 $0xFFFFE400  }
0x11c: {  	s21 =	simm.s32 $0x4;
	v1 =	vmov s17;
	_ =	swait.ge [sflag:s30], $0x1C00  }
0x11d: {  	s23 =	simm.s32 $0x2;
	v40 =	vmul.u32 $0x38, v1;
	v1 =	vmov s21;
	[sflag:s30] =	ssyncset.done $0x0  }
0x11e: {  	v3 =	vmov s23;
	v36 =	vmul.u32 $0x38, v1;
	[sflag:s30] =	ssyncadd.s32 $0xFFFFE400  }
0x11f: {  	v37 =	vmul.u32 $0x38, v3;
	v6 =	vor.u32 v0, v40;
	_ =	swait.ge [sflag:s30], $0x1C00  }
0x120: {  	s20 =	simm.s32 $0x6;
	v9 =	vor.u32 v0, v36;
	v63 =	vld [tilespmem:$0x1FF50]  }
0x121: {  	v5 =	vmov s20;
	v11 =	vor.u32 v0, v37;
	v55 =	vld [tilespmem:$0x1FF90]  }
0x122: {  	v42 =	vmul.u32 $0x38, v5;
	[sflag:s30] =	ssyncset.done $0x0  }
0x123: {  	v58 =	vld [tilespmem:$0x1FEE0];
	[sflag:s30] =	ssyncadd.s32 $0xFFFFE400  }
0x124: {  	v13 =	vor.u32 v0, v42;
	v14 =	vor.u32 s17, v26;
	v6 =	vld.idx.msk [tilespmem:v6+s19+$0x0], $0xffff  }
0x125: {  	v9 =	vld.idx.msk [tilespmem:v9+s19+$0x0], $0xffff;
	v16 =	vor.u32 s21, v63  }
0x126: {  	v11 =	vld.idx.msk [tilespmem:v11+s19+$0x0], $0xffff;
	v19 =	vor.u32 s23, v55;
	_ =	sdelay $0x1  }
0x127: {  	v15 =	vor.u32 v2, v40  }
0x128: {  	v20 =	vor.u32 v2, v36;
	v13 =	vld.idx.msk [tilespmem:v13+s19+$0x0], $0xffff;
	v41 =	vor.u32 s20, v58;
	[tilespmem:v14+s31+$0x0] =	vst.idx.msk $0xffff, v6  }
0x129: {  	[tilespmem:v16+s31+$0x0] =	vst.idx.msk $0xffff, v9  }
0x12a: {  	v44 =	vadd.s32 v2, v37;
	[tilespmem:v19+s31+$0x0] =	vst.idx.msk $0xffff, v11  }
0x12b: {  	v56 =	vld [tilespmem:$0x1FF60]  }
0x12c: {  	v6 =	vld.idx.msk [tilespmem:v15+s19+$0x0], $0xffff  }
0x12d: {  	v15 =	vld.idx.msk [tilespmem:v20+s19+$0x0], $0xffff;
	[tilespmem:v41+s31+$0x0] =	vst.idx.msk $0xffff, v13  }
0x12e: {  	v45 =	vadd.s32 v2, v42;
	v14 =	vor.u32 s17, v27;
	v57 =	vld [tilespmem:$0x1FEB0]  }
0x12f: {  	v13 =	vld.idx.msk [tilespmem:v44+s19+$0x0], $0xffff;
	v20 =	vor.u32 s23, v30  }
0x130: {  	v11 =	vor.u32 v4, v40;
	v16 =	vor.u32 s21, v56;
	_ =	sdelay $0x2  }
0x131: {  	v48 =	vld.idx.msk [tilespmem:v45+s19+$0x0], $0xffff;
	[tilespmem:v14+s31+$0x0] =	vst.idx.msk $0xffff, v6;
	v49 =	vor.u32 s20, v57  }
0x132: {  	v61 =	vmov v30;
	v30 =	vld [tilespmem:$0x1FF80];
	[tilespmem:v20+s31+$0x0] =	vst.idx.msk $0xffff, v13  }
0x133: {  	v11 =	vld.idx.msk [tilespmem:v11+s19+$0x0], $0xffff;
	[tilespmem:v16+s31+$0x0] =	vst.idx.msk $0xffff, v15  }
0x134: {  	s1 =	simm.s32 $0x8;
	v29 =	vmovc v33;
	v47 =	vadd.s32 v4, v36;
	v14 =	vor.u32 s17, v32;
	v13 =	vor.u32 v33, v40;
	v33 =	vld [tilespmem:$0x1FF70]  }
0x135: {  	s2 =	simm.s32 $0xC;
	v50 =	vmov s1;
	v24 =	vadd.s32 v4, v37  }
0x136: {  	v23 =	vmov s2;
	v35 =	vmul.u32 $0x38, v50;
	[tilespmem:v49+s31+$0x0] =	vst.idx.msk $0xffff, v48  }
0x137: {  	v25 =	vor.u32 v4, v42;
	v9 =	vor.u32 s23, v17;
	v19 =	vor.u32 s21, v17;
	v54 =	vld [tilespmem:$0x1FEC0]  }
0x138: {  	v3 =	vand.u32 $0x1FB, v3;
	v19 =	vmul.u32 $0x38, v19;
	v9 =	vmul.u32 $0x38, v9  }
0x139: {  	v20 =	vor.u32 s20, v17;
	v15 =	vld.idx.msk [tilespmem:v47+s19+$0x0], $0xffff;
	[tilespmem:v14+s31+$0x0] =	vst.idx.msk $0xffff, v11;
	v11 =	vor.u32 v0, v35;
	v16 =	vor.u32 s21, v33  }
0x13a: {  	s0 =	simm.s32 $0xE;
	v19 =	vadd.s32 v18, v19;
	v21 =	vld.idx.msk [tilespmem:v24+s19+$0x0], $0xffff;
	v20 =	vmul.u32 $0x38, v20;
	v6 =	vor.u32 s23, v30  }
0x13b: {  	v1 =	vand.u32 $0x1FD, v1;
	v41 =	vmov s0;
	v9 =	vadd.s32 v18, v9  }
0x13c: {  	s22 =	simm.s32 $0xA;
	v34 =	vmul.u32 $0x38, v41;
	v20 =	vadd.s32 v18, v20;
	v24 =	vld.idx.msk [tilespmem:v25+s19+$0x0], $0xffff;
	v22 =	vor.u32 s20, v54  }
0x13d: {  	v48 =	vmul.u32 $0x38, v23;
	v25 =	vmov s22;
	v14 =	vor.u32 s17, v7;
	v13 =	vld.idx.msk [tilespmem:v13+s19+$0x0], $0xffff  }
0x13e: {  	v44 =	vor.u32 s1, v26;
	v51 =	vor.u32 v0, v34;
	v47 =	vmul.u32 $0x38, v25;
	v11 =	vld.idx.msk [tilespmem:v11+s19+$0x0], $0xffff;
	[tilespmem:v16+s31+$0x0] =	vst.idx.msk $0xffff, v15  }
0x13f: {  	v1 =	vor.u32 v7, v1;
	[tilespmem:v6+s31+$0x0] =	vst.idx.msk $0xffff, v21;
	v15 =	vor.u32 v0, v48;
	v6 =	vld.idx.msk [tilespmem:v19+s19+$0x0], $0xffff  }
0x140: {  	v3 =	vor.u32 v7, v3;
	v9 =	vld.idx.msk [tilespmem:v9+s19+$0x0], $0xffff;
	v16 =	vor.u32 v0, v47  }
0x141: {  	v5 =	vand.u32 $0x1FF, v5;
	[tilespmem:v22+s31+$0x0] =	vst.idx.msk $0xffff, v24  }
0x142: {  	v5 =	vor.u32 v7, v5;
	[tilespmem:v14+s31+$0x0] =	vst.idx.msk $0xffff, v13;
	v19 =	vld.idx.msk [tilespmem:v20+s19+$0x0], $0xffff;
	v20 =	vadd.s32 v8, v37  }
0x143: {  	v45 =	vor.u32 s2, v17;
	v49 =	vor.u32 s0, v58;
	v13 =	vor.u32 v2, v35;
	v24 =	vld.idx.msk [tilespmem:v51+s19+$0x0], $0xffff;
	[tilespmem:v44+s31+$0x0] =	vst.idx.msk $0xffff, v11  }
0x144: {  	v14 =	vmul.u32 $0x38, v45;
	v11 =	vadd.s32 v8, v40;
	[tilespmem:v1+s31+$0x0] =	vst.idx.msk $0xffff, v6;
	v1 =	vld.idx.msk [tilespmem:v15+s19+$0x0], $0xffff;
	v6 =	vor.u32 s2, v63  }
0x145: {  	[tilespmem:v3+s31+$0x0] =	vst.idx.msk $0xffff, v9;
	v3 =	vor.u32 v2, v48;
	v15 =	vld.idx.msk [tilespmem:v16+s19+$0x0], $0xffff;
	v16 =	vor.u32 s22, v55  }
0x146: {  	v9 =	vadd.s32 v18, v14;
	v14 =	vadd.s32 v2, v47  }
0x147: {  	v50 =	vadd.s32 v2, v34;
	[tilespmem:v5+s31+$0x0] =	vst.idx.msk $0xffff, v19;
	v19 =	vld.idx.msk [tilespmem:v20+s19+$0x0], $0xffff;
	v20 =	vor.u32 s23, v43  }
0x148: {  	v51 =	vor.u32 s1, v27;
	v13 =	vld.idx.msk [tilespmem:v13+s19+$0x0], $0xffff;
	[tilespmem:v49+s31+$0x0] =	vst.idx.msk $0xffff, v24;
	v24 =	vadd.s32 v10, v37  }
0x149: {  	v11 =	vld.idx.msk [tilespmem:v11+s19+$0x0], $0xffff;
	[tilespmem:v6+s31+$0x0] =	vst.idx.msk $0xffff, v1;
	v1 =	vor.u32 v4, v35  }
0x14a: {  	[tilespmem:v16+s31+$0x0] =	vst.idx.msk $0xffff, v15;
	v15 =	vadd.s32 v8, v36;
	v16 =	vor.u32 s2, v56;
	v3 =	vld.idx.msk [tilespmem:v3+s19+$0x0], $0xffff  }
0x14b: {  	v38 =	vor.u32 s22, v61;
	v39 =	vadd.s32 v4, v48;
	v14 =	vld.idx.msk [tilespmem:v14+s19+$0x0], $0xffff  }
0x14c: {  	v46 =	vmov v28;
	v45 =	vadd.s32 v4, v47;
	v22 =	vld.idx.msk [tilespmem:v50+s19+$0x0], $0xffff;
	v43 =	vor.u32 s0, v57;
	[tilespmem:v20+s31+$0x0] =	vst.idx.msk $0xffff, v19  }
0x14d: {  	[tilespmem:v51+s31+$0x0] =	vst.idx.msk $0xffff, v13;
	v20 =	vor.u32 s17, v46;
	v21 =	vld.idx.msk [tilespmem:v24+s19+$0x0], $0xffff  }
0x14e: {  	v28 =	vmovc v32;
	v44 =	vadd.s32 v12, v36;
	v13 =	vor.u32 v4, v34;
	v46 =	vor.u32 s23, v62;
	v1 =	vld.idx.msk [tilespmem:v1+s19+$0x0], $0xffff  }
0x14f: {  	v49 =	vadd.s32 v8, v42;
	v5 =	vor.u32 s22, v17;
	v51 =	vor.u32 s1, v32;
	[tilespmem:v16+s31+$0x0] =	vst.idx.msk $0xffff, v3;
	v3 =	vld.idx.msk [tilespmem:v15+s19+$0x0], $0xffff  }
0x150: {  	v37 =	vadd.s32 v12, v37;
	v5 =	vmul.u32 $0x38, v5;
	[tilespmem:v38+s31+$0x0] =	vst.idx.msk $0xffff, v14;
	v38 =	vor.u32 s21, v52;
	v16 =	vld.idx.msk [tilespmem:v39+s19+$0x0], $0xffff  }
0x151: {  	v19 =	vor.u32 s22, v30;
	[tilespmem:v43+s31+$0x0] =	vst.idx.msk $0xffff, v22;
	v14 =	vor.u32 v29, v35;
	v43 =	vld.idx.msk [tilespmem:v45+s19+$0x0], $0xffff;
	v45 =	vor.u32 s2, v33  }
0x152: {  	s13 =	simm.s32 $0x16;
	v32 =	vmovc v52;
	v22 =	vadd.s32 v10, v36;
	v36 =	vor.u32 s0, v17;
	v52 =	vor.u32 s20, v53;
	[tilespmem:v20+s31+$0x0] =	vst.idx.msk $0xffff, v11  }
0x153: {  	v13 =	vld.idx.msk [tilespmem:v13+s19+$0x0], $0xffff;
	v11 =	vmov s13;
	v20 =	vmul.u32 $0x38, v36;
	v33 =	vmovc v53;
	v53 =	vor.u32 s0, v54;
	[tilespmem:v46+s31+$0x0] =	vst.idx.msk $0xffff, v21  }
0x154: {  	v5 =	vadd.s32 v18, v5;
	v36 =	vmul.u32 $0x38, v11;
	v21 =	vld.idx.msk [tilespmem:v49+s19+$0x0], $0xffff;
	[tilespmem:v51+s31+$0x0] =	vst.idx.msk $0xffff, v1  }
0x155: {  	v50 =	vor.u32 s23, v60;
	v1 =	vadd.s32 v18, v20;
	v20 =	vld.idx.msk [tilespmem:v37+s19+$0x0], $0xffff;
	[tilespmem:v38+s31+$0x0] =	vst.idx.msk $0xffff, v3  }
0x156: {  	v46 =	vor.u32 s1, v7;
	v51 =	vor.u32 v0, v36;
	v14 =	vld.idx.msk [tilespmem:v14+s19+$0x0], $0xffff;
	[tilespmem:v45+s31+$0x0] =	vst.idx.msk $0xffff, v16  }
0x157: {  	v23 =	vand.u32 $0x1FD, v23;
	v15 =	vor.u32 s21, v59;
	v16 =	vld.idx.msk [tilespmem:v22+s19+$0x0], $0xffff;
	[tilespmem:v19+s31+$0x0] =	vst.idx.msk $0xffff, v43  }
0x158: {  	v6 =	vand.u32 $0x1FB, v25;
	v3 =	vor.u32 v7, v23;
	[tilespmem:v53+s31+$0x0] =	vst.idx.msk $0xffff, v13;
	v9 =	vld.idx.msk [tilespmem:v9+s19+$0x0], $0xffff  }
0x159: {  	v6 =	vor.u32 v7, v6;
	v19 =	vand.u32 $0x1FF, v41;
	[tilespmem:v52+s31+$0x0] =	vst.idx.msk $0xffff, v21;
	v5 =	vld.idx.msk [tilespmem:v5+s19+$0x0], $0xffff  }
0x15a: {  	s14 =	simm.s32 $0x10;
	v19 =	vor.u32 v7, v19;
	v1 =	vld.idx.msk [tilespmem:v1+s19+$0x0], $0xffff;
	[tilespmem:v50+s31+$0x0] =	vst.idx.msk $0xffff, v20  }
0x15b: {  	s15 =	simm.s32 $0x12;
	v58 =	vor.u32 s13, v58;
	v54 =	vmov s14;
	v21 =	vld.idx.msk [tilespmem:v51+s19+$0x0], $0xffff;
	[tilespmem:v46+s31+$0x0] =	vst.idx.msk $0xffff, v14  }
0x15c: {  	v49 =	vmov s15;
	v39 =	vmul.u32 $0x38, v54;
	v31 =	vld [tilespmem:$0x1FFD0];
	[tilespmem:v15+s31+$0x0] =	vst.idx.msk $0xffff, v16  }
0x15d: {  	s16 =	simm.s32 $0x14;
	v37 =	vmul.u32 $0x38, v49;
	[tilespmem:v3+s31+$0x0] =	vst.idx.msk $0xffff, v9  }
0x15e: {  	v23 =	vmov s16;
	v22 =	vor.u32 v0, v39;
	[tilespmem:v6+s31+$0x0] =	vst.idx.msk $0xffff, v5  }
0x15f: {  	v38 =	vmul.u32 $0x38, v23;
	v54 =	vor.u32 v0, v37;
	[tilespmem:v19+s31+$0x0] =	vst.idx.msk $0xffff, v1  }
0x160: {  	v24 =	vadd.s32 v10, v40;
	v45 =	vor.u32 s16, v17;
	[tilespmem:v58+s31+$0x0] =	vst.idx.msk $0xffff, v21  }
0x161: {  	v45 =	vmul.u32 $0x38, v45;
	v13 =	vor.u32 v0, v38;
	v0 =	vld [tilespmem:$0x1FF10]  }
0x162: {  	v25 =	vadd.s32 v10, v42;
	v20 =	vor.u32 s15, v17  }
0x163: {  	v41 =	vadd.s32 v18, v45;
	v45 =	vmul.u32 $0x38, v20;
	v20 =	vld.idx.msk [tilespmem:v22+s19+$0x0], $0xffff;
	v15 =	vor.u32 s14, v26  }
0x164: {  	v54 =	vld.idx.msk [tilespmem:v54+s19+$0x0], $0xffff;
	v3 =	vor.u32 s15, v55  }
0x165: {  	v24 =	vld.idx.msk [tilespmem:v24+s19+$0x0], $0xffff;
	v46 =	vor.u32 s17, v31  }
0x166: {  	v21 =	vor.u32 s21, v0;
	v0 =	vld [tilespmem:$0x1FEA0];
	_ =	sdelay $0x1  }
0x167: {  	v6 =	vld.idx.msk [tilespmem:v25+s19+$0x0], $0xffff;
	[tilespmem:v15+s31+$0x0] =	vst.idx.msk $0xffff, v20  }
0x168: {  	v22 =	vadd.s32 v2, v36;
	v55 =	vor.u32 s16, v63;
	v13 =	vld.idx.msk [tilespmem:v13+s19+$0x0], $0xffff;
	[tilespmem:v3+s31+$0x0] =	vst.idx.msk $0xffff, v54  }
0x169: {  	v19 =	vld.idx.msk [tilespmem:v44+s19+$0x0], $0xffff;
	[tilespmem:v46+s31+$0x0] =	vst.idx.msk $0xffff, v24  }
0x16a: {  	v14 =	vadd.s32 v8, v47;
	v3 =	vld [tilespmem:$0x1FF30];
	v25 =	vor.u32 s20, v0;
	_ =	sdelay $0x1  }
0x16b: {  	v16 =	vor.u32 v2, v39  }
0x16c: {  	v9 =	vadd.s32 v2, v37;
	v22 =	vld.idx.msk [tilespmem:v22+s19+$0x0], $0xffff;
	[tilespmem:v55+s31+$0x0] =	vst.idx.msk $0xffff, v13  }
0x16d: {  	v5 =	vor.u32 v2, v38;
	v15 =	vor.u32 s13, v57;
	v0 =	vand.u32 $0x1FD, v23;
	v23 =	vld [tilespmem:$0x1FFA0];
	[tilespmem:v21+s31+$0x0] =	vst.idx.msk $0xffff, v19  }
0x16e: {  	v58 =	vadd.s32 v12, v42;
	v14 =	vld.idx.msk [tilespmem:v14+s19+$0x0], $0xffff;
	v3 =	vor.u32 s22, v3;
	[tilespmem:v25+s31+$0x0] =	vst.idx.msk $0xffff, v6  }
0x16f: {  	v6 =	vld [tilespmem:$0x1FE90]  }
0x170: {  	v16 =	vld.idx.msk [tilespmem:v16+s19+$0x0], $0xffff  }
0x171: {  	v44 =	vand.u32 $0x1FF, v11;
	v11 =	vor.u32 s14, v27;
	v9 =	vld.idx.msk [tilespmem:v9+s19+$0x0], $0xffff  }
0x172: {  	v54 =	vor.u32 s15, v61;
	v5 =	vld.idx.msk [tilespmem:v5+s19+$0x0], $0xffff;
	[tilespmem:v15+s31+$0x0] =	vst.idx.msk $0xffff, v22  }
0x173: {  	v20 =	vadd.s32 v8, v35;
	v25 =	vor.u32 s16, v56;
	v19 =	vld.idx.msk [tilespmem:v58+s19+$0x0], $0xffff;
	[tilespmem:v3+s31+$0x0] =	vst.idx.msk $0xffff, v14  }
0x174: {  	v53 =	vor.u32 v4, v39;
	v46 =	vor.u32 s15, v30;
	v30 =	vld [tilespmem:$0x1FFE0];
	v21 =	vor.u32 s20, v6;
	_ =	sdelay $0x1  }
0x175: {  	[tilespmem:v11+s31+$0x0] =	vst.idx.msk $0xffff, v16  }
0x176: {  	[tilespmem:v54+s31+$0x0] =	vst.idx.msk $0xffff, v9  }
0x177: {  	v15 =	vld.idx.msk [tilespmem:v20+s19+$0x0], $0xffff;
	[tilespmem:v25+s31+$0x0] =	vst.idx.msk $0xffff, v5  }
0x178: {  	v61 =	vld.idx.msk [tilespmem:v53+s19+$0x0], $0xffff;
	v22 =	vor.u32 s1, v30;
	[tilespmem:v21+s31+$0x0] =	vst.idx.msk $0xffff, v19  }
0x179: {  	v53 =	vor.u32 v7, v0;
	v0 =	vld [tilespmem:$0x1FF70]  }
0x17a: {  	v1 =	vadd.s32 v12, v40  }
0x17b: {  	v24 =	vadd.s32 v8, v48  }
0x17c: {  	v43 =	vand.u32 $0x1FB, v49;
	v52 =	vadd.s32 v10, v47;
	v49 =	vor.u32 s2, v59  }
0x17d: {  	v59 =	vor.u32 s22, v62;
	v62 =	vadd.s32 v12, v47;
	v63 =	vadd.s32 v4, v38;
	[tilespmem:v22+s31+$0x0] =	vst.idx.msk $0xffff, v15  }
0x17e: {  	v50 =	vadd.s32 v10, v35;
	v20 =	vadd.s32 v4, v37;
	v14 =	vor.u32 s16, v0;
	v0 =	vld [tilespmem:$0x1FEC0]  }
0x17f: {  	v51 =	vor.u32 s22, v60;
	v40 =	vadd.s32 v12, v48;
	v42 =	vadd.s32 v10, v34;
	v1 =	vld.idx.msk [tilespmem:v1+s19+$0x0], $0xffff  }
0x180: {  	v57 =	vor.u32 s0, v33;
	v13 =	vor.u32 v4, v36;
	v60 =	vld.idx.msk [tilespmem:v24+s19+$0x0], $0xffff;
	v55 =	vor.u32 s17, v23  }
0x181: {  	v56 =	vadd.s32 v10, v48;
	v48 =	vor.u32 s13, v17;
	v58 =	vor.u32 v29, v39;
	v3 =	vld.idx.msk [tilespmem:v52+s19+$0x0], $0xffff  }
0x182: {  	v52 =	vadd.s32 v8, v34;
	v54 =	vor.u32 s14, v7;
	v9 =	vor.u32 s2, v32;
	v5 =	vld.idx.msk [tilespmem:v63+s19+$0x0], $0xffff  }
0x183: {  	v33 =	vmovc v29;
	s17 =	simm.s32 $0x8;
	v32 =	vmovc v23;
	v6 =	vor.u32 s14, v28;
	v11 =	vld.idx.msk [tilespmem:v20+s19+$0x0], $0xffff;
	s20 =	simm.s32 $0x1E;
	v63 =	vor.u32 s13, v0;
	v0 =	vlaneseq.u32  }
.LBB2_5:
0x184: {  	_ =	sdelay $0x1  }
0x185: {  	v13 =	vld.idx.msk [tilespmem:v13+s19+$0x0], $0xffff;
	[tilespmem:v55+s31+$0x0] =	vst.idx.msk $0xffff, v1  }
0x186: {  	v19 =	vmul.u32 $0x38, v48;
	[tilespmem:v59+s31+$0x0] =	vst.idx.msk $0xffff, v3  }
0x187: {  	v28 =	vld [tilespmem:$0x1FF90];
	[tilespmem:v6+s31+$0x0] =	vst.idx.msk $0xffff, v61  }
0x188: {  	v3 =	vld.idx.msk [tilespmem:v52+s19+$0x0], $0xffff;
	v6 =	vadd.s32 v18, v19;
	[tilespmem:v9+s31+$0x0] =	vst.idx.msk $0xffff, v60  }
0x189: {  	v15 =	vmov s20;
	v19 =	vld.idx.msk [tilespmem:v62+s19+$0x0], $0xffff;
	[tilespmem:v14+s31+$0x0] =	vst.idx.msk $0xffff, v5  }
0x18a: {  	s22 =	sadd.s32 $0xFFFFFFFA, s20;
	s21 =	sadd.s32 $0xFFFFFFFC, s20;
	v21 =	vmul.u32 $0x38, v15;
	[tilespmem:v63+s31+$0x0] =	vst.idx.msk $0xffff, v13;
	v13 =	vor.u32 v7, v44;
	v44 =	vand.u32 $0x1FF, v15;
	v15 =	vld [tilespmem:$0x1FEE0]  }
0x18b: {  	v16 =	vadd.s32 v18, v45;
	s23 =	sadd.s32 $0xFFFFFFFE, s20;
	v1 =	vmov s22;
	v20 =	vmov s21;
	v5 =	vld.idx.msk [tilespmem:v56+s19+$0x0], $0xffff  }
0x18c: {  	v22 =	vmov s23;
	v25 =	vor.u32 s23, v17;
	v47 =	vmul.u32 $0x38, v1;
	[tilespmem:v46+s31+$0x0] =	vst.idx.msk $0xffff, v11;
	v11 =	vld.idx.msk [tilespmem:v41+s19+$0x0], $0xffff  }
0x18d: {  	v48 =	vmovc v37;
	v1 =	vor.u32 s21, v17;
	v37 =	vmul.u32 $0x38, v20;
	v52 =	vmovc v38;
	v38 =	vmul.u32 $0x38, v22;
	v6 =	vld.idx.msk [tilespmem:v6+s19+$0x0], $0xffff  }
0x18e: {  	v23 =	vor.u32 v0, v21;
	v45 =	vmul.u32 $0x38, v1;
	v1 =	vmul.u32 $0x38, v25;
	[tilespmem:v57+s31+$0x0] =	vst.idx.msk $0xffff, v3;
	v3 =	vld [tilespmem:$0x1FF80]  }
0x18f: {  	v25 =	vor.u32 v0, v38;
	v62 =	vor.u32 s21, v28;
	v28 =	vld [tilespmem:$0x1FF50]  }
0x190: {  	v14 =	vor.u32 v0, v37;
	v16 =	vld.idx.msk [tilespmem:v16+s19+$0x0], $0xffff;
	v41 =	vadd.s32 v18, v1;
	v1 =	vor.u32 v7, v43;
	_ =	sdelay $0x1  }
0x191: {  	v24 =	vld.idx.msk [tilespmem:v58+s19+$0x0], $0xffff;
	[tilespmem:v49+s31+$0x0] =	vst.idx.msk $0xffff, v5  }
0x192: {  	v15 =	vor.u32 s20, v15;
	[tilespmem:v53+s31+$0x0] =	vst.idx.msk $0xffff, v11;
	v46 =	vor.u32 s21, v3;
	v3 =	vld.idx.msk [tilespmem:v23+s19+$0x0], $0xffff  }
0x193: {  	[tilespmem:v51+s31+$0x0] =	vst.idx.msk $0xffff, v19;
	v63 =	vor.u32 s23, v28;
	v25 =	vld.idx.msk [tilespmem:v25+s19+$0x0], $0xffff  }
0x194: {  	v14 =	vld.idx.msk [tilespmem:v14+s19+$0x0], $0xffff;
	[tilespmem:v1+s31+$0x0] =	vst.idx.msk $0xffff, v16;
	v1 =	vor.u32 v2, v38  }
0x195: {  	v16 =	vld [tilespmem:$0x1FEA0];
	[tilespmem:v13+s31+$0x0] =	vst.idx.msk $0xffff, v6  }
0x196: {  	v13 =	vld.idx.msk [tilespmem:v42+s19+$0x0], $0xffff  }
0x197: {  	[tilespmem:v15+s31+$0x0] =	vst.idx.msk $0xffff, v3;
	v3 =	vld.idx.msk [tilespmem:v40+s19+$0x0], $0xffff  }
0x198: {  	v15 =	vld [tilespmem:$0x1FF10];
	[tilespmem:v63+s31+$0x0] =	vst.idx.msk $0xffff, v25  }
0x199: {  	[tilespmem:v54+s31+$0x0] =	vst.idx.msk $0xffff, v24;
	v24 =	vadd.s32 v2, v21;
	v57 =	vld.idx.msk [tilespmem:v1+s19+$0x0], $0xffff  }
0x19a: {  	v16 =	vor.u32 s0, v16;
	v1 =	vld [tilespmem:$0x1FF60];
	_ =	sdelay $0x2  }
0x19b: {  	v28 =	vld [tilespmem:$0x1FFB0]  }
0x19c: {  	v24 =	vld.idx.msk [tilespmem:v24+s19+$0x0], $0xffff;
	v15 =	vor.u32 s2, v15;
	s2 =	smov.u32 s16;
	s16 =	smov.u32 s23  }
0x19d: {  	[tilespmem:v16+s31+$0x0] =	vst.idx.msk $0xffff, v13;
	v16 =	vor.u32 s16, v1;
	v1 =	vld [tilespmem:$0x1FE90];
	_ =	sdelay $0x2  }
0x19e: {  	v9 =	vor.u32 v0, v47  }
0x19f: {  	v20 =	vand.u32 $0x1FB, v20  }
0x1a0: {  	v43 =	vmovc v20;
	v20 =	vor.u32 s22, v26;
	v54 =	vor.u32 s21, v28;
	v28 =	vmovc v26;
	v26 =	vor.u32 s0, v1;
	v1 =	vld [tilespmem:$0x1FF40]  }
0x1a1: {  	v19 =	vadd.s32 v8, v48  }
0x1a2: {  	v61 =	vor.u32 s1, v31;
	v60 =	vld.idx.msk [tilespmem:v50+s19+$0x0], $0xffff  }
0x1a3: {  	v9 =	vld.idx.msk [tilespmem:v9+s19+$0x0], $0xffff;
	_ =	sdelay $0x1  }
0x1a4: {  	v51 =	vor.u32 s15, v1;
	v1 =	vld [tilespmem:$0x1FEF0]  }
0x1a5: {  	v5 =	vor.u32 v2, v47;
	v19 =	vld.idx.msk [tilespmem:v19+s19+$0x0], $0xffff;
	[tilespmem:v62+s31+$0x0] =	vst.idx.msk $0xffff, v14  }
0x1a6: {  	[tilespmem:v61+s31+$0x0] =	vst.idx.msk $0xffff, v60  }
0x1a7: {  	v14 =	vld [tilespmem:$0x1FF30];
	[tilespmem:v20+s31+$0x0] =	vst.idx.msk $0xffff, v9;
	v20 =	vadd.s32 v8, v39  }
0x1a8: {  	v53 =	vadd.s32 v12, v34;
	v9 =	vld [tilespmem:$0x1FEB0]  }
0x1a9: {  	v6 =	vadd.s32 v12, v35;
	v49 =	vor.u32 s2, v1;
	v1 =	vld [tilespmem:$0x1FF20]  }
0x1aa: {  	v34 =	vmovc v36;
	v42 =	vadd.s32 v10, v36;
	v36 =	vmov v21;
	v21 =	vor.u32 s22, v27;
	v5 =	vld.idx.msk [tilespmem:v5+s19+$0x0], $0xffff  }
0x1ab: {  	v11 =	vadd.s32 v2, v37  }
0x1ac: {  	v14 =	vor.u32 s15, v14;
	v20 =	vld.idx.msk [tilespmem:v20+s19+$0x0], $0xffff  }
0x1ad: {  	v9 =	vor.u32 s20, v9;
	[tilespmem:v15+s31+$0x0] =	vst.idx.msk $0xffff, v3;
	v15 =	vld.idx.msk [tilespmem:v53+s19+$0x0], $0xffff  }
0x1ae: {  	v59 =	vor.u32 s15, v1;
	v1 =	vld.idx.msk [tilespmem:v6+s19+$0x0], $0xffff  }
0x1af: {  	[tilespmem:v21+s31+$0x0] =	vst.idx.msk $0xffff, v5;
	v5 =	vld [tilespmem:$0x1FFC0]  }
0x1b0: {  	v11 =	vld.idx.msk [tilespmem:v11+s19+$0x0], $0xffff;
	v25 =	vadd.s32 v10, v48  }
0x1b1: {  	v55 =	vor.u32 s1, v32;
	v23 =	vadd.s32 v8, v52;
	[tilespmem:v14+s31+$0x0] =	vst.idx.msk $0xffff, v19;
	v14 =	vld [tilespmem:$0x1FF70]  }
0x1b2: {  	v22 =	vand.u32 $0x1FD, v22;
	v58 =	vor.u32 v33, v47;
	[tilespmem:v9+s31+$0x0] =	vst.idx.msk $0xffff, v24;
	v24 =	vadd.s32 v4, v37;
	v9 =	vld [tilespmem:$0x1FF00]  }
0x1b3: {  	s17 =	sadd.s32 $0x4, s17;
	s1 =	smov.u32 s14;
	s14 =	smov.u32 s22;
	v56 =	vadd.s32 v10, v52;
	v35 =	vmov v39;
	v39 =	vor.u32 v4, v47;
	[tilespmem:v26+s31+$0x0] =	vst.idx.msk $0xffff, v15;
	v15 =	vld [tilespmem:$0x1FEC0]  }
0x1b4: {  	v29 =	vmovc v27;
	p0 =	slt.u32 s17, $0xFC;
	v27 =	vor.u32 s1, v30;
	v63 =	vadd.s32 v4, v38;
	v6 =	vor.u32 s14, v5;
	v5 =	vld [tilespmem:$0x1FED0]  }
.Ltmp1:
0x1b5: {  	v50 =	vadd.s32 v10, v35;
	v62 =	vadd.s32 v12, v48;
	v3 =	vld.idx.msk [tilespmem:v25+s19+$0x0], $0xffff;
	[tilespmem:v16+s31+$0x0] =	vst.idx.msk $0xffff, v57;
	(pc) =	sbr.rel @p0 .LBB2_5-.Ltmp1, $4  }
0x1b6: {  	v40 =	vadd.s32 v12, v52;
	v52 =	vadd.s32 v8, v34;
	[tilespmem:v54+s31+$0x0] =	vst.idx.msk $0xffff, v11;
	v60 =	vld.idx.msk [tilespmem:v23+s19+$0x0], $0xffff  }
0x1b7: {  	v13 =	vor.u32 v4, v36;
	v54 =	vor.u32 s14, v7;
	v53 =	vor.u32 v7, v22;
	s0 =	smov.u32 s13;
	s13 =	smov.u32 s20;
	v11 =	vld.idx.msk [tilespmem:v24+s19+$0x0], $0xffff  }
0x1b8: {  	v14 =	vor.u32 s16, v14;
	v48 =	vor.u32 s13, v17;
	v9 =	vor.u32 s2, v9;
	v26 =	vmovc v28;
	v61 =	vld.idx.msk [tilespmem:v39+s19+$0x0], $0xffff  }
0x1b9: {  	s20 =	sadd.s32 $0x8, s20;
	s15 =	smov.u32 s21;
	[tilespmem:v27+s31+$0x0] =	vst.idx.msk $0xffff, v20;
	v27 =	vmovc v29;
	v39 =	vmov v47;
	v57 =	vor.u32 s0, v5;
	v5 =	vld.idx.msk [tilespmem:v63+s19+$0x0], $0xffff;
	v63 =	vor.u32 s13, v15  }
0x1ba: {  	_ =	sdelay $0x2  }
0x1bb: {  	v15 =	vadd.s32 v18, v45  }
0x1bc: {  	[tilespmem:v55+s31+$0x0] =	vst.idx.msk $0xffff, v1  }
0x1bd: {  	v16 =	vmul.u32 $0x38, v48;
	v13 =	vld.idx.msk [tilespmem:v13+s19+$0x0], $0xffff;
	[tilespmem:v59+s31+$0x0] =	vst.idx.msk $0xffff, v3  }
0x1be: {  	v3 =	vld.idx.msk [tilespmem:v52+s19+$0x0], $0xffff;
	[tilespmem:v46+s31+$0x0] =	vst.idx.msk $0xffff, v11  }
0x1bf: {  	v1 =	vadd.s32 v18, v16;
	[tilespmem:v6+s31+$0x0] =	vst.idx.msk $0xffff, v61;
	v6 =	vld.idx.msk [tilespmem:v62+s19+$0x0], $0xffff  }
0x1c0: {  	v11 =	vor.u32 v7, v43;
	[tilespmem:v14+s31+$0x0] =	vst.idx.msk $0xffff, v5;
	v5 =	vld.idx.msk [tilespmem:v15+s19+$0x0], $0xffff  }
0x1c1: {  	[tilespmem:v9+s31+$0x0] =	vst.idx.msk $0xffff, v60;
	v14 =	vld.idx.msk [tilespmem:v41+s19+$0x0], $0xffff  }
0x1c2: {  	[tilespmem:v63+s31+$0x0] =	vst.idx.msk $0xffff, v13  }
0x1c3: {  	[tilespmem:v57+s31+$0x0] =	vst.idx.msk $0xffff, v3  }
0x1c4: {  	v9 =	vor.u32 v7, v44;
	v1 =	vld.idx.msk [tilespmem:v1+s19+$0x0], $0xffff;
	[tilespmem:v51+s31+$0x0] =	vst.idx.msk $0xffff, v6  }
0x1c5: {  	v16 =	vld.idx.msk [tilespmem:v58+s19+$0x0], $0xffff;
	[tilespmem:v11+s31+$0x0] =	vst.idx.msk $0xffff, v5  }
0x1c6: {  	v19 =	vld.idx.msk [tilespmem:v56+s19+$0x0], $0xffff;
	[tilespmem:v53+s31+$0x0] =	vst.idx.msk $0xffff, v14  }
0x1c7: {  	v13 =	vadd.s32 v8, v37;
	v44 =	vld [tilespmem:$0x1FF30]  }
0x1c8: {  	v20 =	vld.idx.msk [tilespmem:v50+s19+$0x0], $0xffff;
	v21 =	vor.u32 s1, v31  }
0x1c9: {  	v22 =	vld.idx.msk [tilespmem:v42+s19+$0x0], $0xffff;
	[tilespmem:v9+s31+$0x0] =	vst.idx.msk $0xffff, v1  }
0x1ca: {  	v15 =	vadd.s32 v8, v38;
	v53 =	vld [tilespmem:$0x1FF00];
	[tilespmem:v54+s31+$0x0] =	vst.idx.msk $0xffff, v16  }
0x1cb: {  	v3 =	vadd.s32 v8, v36;
	v62 =	vld [tilespmem:$0x1FED0]  }
0x1cc: {  	v6 =	vadd.s32 v8, v39;
	v5 =	vld.idx.msk [tilespmem:v13+s19+$0x0], $0xffff;
	[tilespmem:v49+s31+$0x0] =	vst.idx.msk $0xffff, v19;
	v11 =	vor.u32 s15, v44  }
0x1cd: {  	v54 =	vld [tilespmem:$0x1FEA0];
	[tilespmem:v21+s31+$0x0] =	vst.idx.msk $0xffff, v20  }
0x1ce: {  	v55 =	vld [tilespmem:$0x1FF10]  }
0x1cf: {  	v9 =	vld.idx.msk [tilespmem:v15+s19+$0x0], $0xffff;
	v13 =	vor.u32 s16, v53  }
0x1d0: {  	v3 =	vld.idx.msk [tilespmem:v3+s19+$0x0], $0xffff;
	v15 =	vor.u32 s13, v62  }
0x1d1: {  	v1 =	vadd.s32 v10, v37;
	v6 =	vld.idx.msk [tilespmem:v6+s19+$0x0], $0xffff;
	v19 =	vor.u32 s14, v30;
	[tilespmem:v11+s31+$0x0] =	vst.idx.msk $0xffff, v5  }
0x1d2: {  	v14 =	vadd.s32 v10, v38;
	v23 =	vor.u32 s0, v54;
	v57 =	vld [tilespmem:$0x1FF20]  }
0x1d3: {  	v16 =	vadd.s32 v10, v36;
	v21 =	vld.idx.msk [tilespmem:v40+s19+$0x0], $0xffff;
	v24 =	vor.u32 s2, v55  }
0x1d4: {  	[tilespmem:v13+s31+$0x0] =	vst.idx.msk $0xffff, v9  }
0x1d5: {  	v20 =	vadd.s32 v10, v39;
	v61 =	vld [tilespmem:$0x1FEF0];
	[tilespmem:v15+s31+$0x0] =	vst.idx.msk $0xffff, v3  }
0x1d6: {  	v25 =	vadd.s32 v12, v34;
	v1 =	vld.idx.msk [tilespmem:v1+s19+$0x0], $0xffff;
	[tilespmem:v19+s31+$0x0] =	vst.idx.msk $0xffff, v6  }
0x1d7: {  	v5 =	vadd.s32 v12, v35;
	v14 =	vld.idx.msk [tilespmem:v14+s19+$0x0], $0xffff;
	[tilespmem:v23+s31+$0x0] =	vst.idx.msk $0xffff, v22;
	v11 =	vor.u32 s15, v57  }
0x1d8: {  	v6 =	vld.idx.msk [tilespmem:v16+s19+$0x0], $0xffff;
	[tilespmem:v24+s31+$0x0] =	vst.idx.msk $0xffff, v21  }
0x1d9: {  	v13 =	vadd.s32 v12, v37;
	v15 =	vor.u32 s13, v54;
	v63 =	vld [tilespmem:$0x1FE90]  }
0x1da: {  	v19 =	vor.u32 s14, v31;
	v16 =	vld.idx.msk [tilespmem:v20+s19+$0x0], $0xffff;
	v20 =	vadd.s32 v12, v36  }
0x1db: {  	v23 =	vadd.s32 v12, v39;
	v21 =	vld.idx.msk [tilespmem:v25+s19+$0x0], $0xffff;
	v9 =	vor.u32 s16, v61  }
0x1dc: {  	v3 =	vadd.s32 v12, v38;
	v5 =	vld.idx.msk [tilespmem:v5+s19+$0x0], $0xffff;
	[tilespmem:v11+s31+$0x0] =	vst.idx.msk $0xffff, v1  }
0x1dd: {  	v24 =	vor.u32 s1, v32;
	v25 =	vld [tilespmem:$0x1FF40]  }
0x1de: {  	v22 =	vor.u32 s0, v63;
	v11 =	vld.idx.msk [tilespmem:v13+s19+$0x0], $0xffff;
	[tilespmem:v15+s31+$0x0] =	vst.idx.msk $0xffff, v6  }
0x1df: {  	[tilespmem:v19+s31+$0x0] =	vst.idx.msk $0xffff, v16;
	v13 =	vor.u32 s13, v63;
	v6 =	vld.idx.msk [tilespmem:v20+s19+$0x0], $0xffff  }
0x1e0: {  	[tilespmem:v9+s31+$0x0] =	vst.idx.msk $0xffff, v14;
	v14 =	vor.u32 s14, v32;
	v15 =	vld.idx.msk [tilespmem:v23+s19+$0x0], $0xffff  }
0x1e1: {  	v9 =	vor.u32 s16, v55;
	v3 =	vld.idx.msk [tilespmem:v3+s19+$0x0], $0xffff  }
0x1e2: {  	[tilespmem:v24+s31+$0x0] =	vst.idx.msk $0xffff, v5;
	v1 =	vor.u32 s15, v25  }
0x1e3: {  	[tilespmem:v22+s31+$0x0] =	vst.idx.msk $0xffff, v21  }
0x1e4: {  	[tilespmem:v13+s31+$0x0] =	vst.idx.msk $0xffff, v6  }
0x1e5: {  	[tilespmem:v14+s31+$0x0] =	vst.idx.msk $0xffff, v15  }
0x1e6: {  	[tilespmem:v9+s31+$0x0] =	vst.idx.msk $0xffff, v3  }
0x1e7: {  	s23 =	sadd.s32 s9, s8;
	[tilespmem:v1+s31+$0x0] =	vst.idx.msk $0xffff, v11  }
0x1e8: {  	[hbm4b:s23+s18] =	stream.strided.scatter [tilespmem:s31], [sflag:$0x3], $0x6400, s29, s18, $0x38;
	[tilespmem:$0x1C400] =	vst v63  }
0x1e9: {  	_ =	swait.ge [sflag:s10], $0x6400  }
0x1ea: {  	v28 =	vmov v30;
	v30 =	vld [tilespmem:$0x1FFC0]  }
0x1eb: {  	v48 =	vld [tilespmem:$0x1FF90]  }
0x1ec: {  	v24 =	vld [tilespmem:$0x1FFB0]  }
0x1ed: {  	s4 =	sadd.s32 $0x1, s4;
	v5 =	vld [tilespmem:$0x1FF80]  }
0x1ee: {  	p0 =	sne.s32 s4, $0x19;
	v53 =	vld [tilespmem:$0x1FF50]  }
.Ltmp2:
0x1ef: {  	v22 =	vld [tilespmem:$0x1FF60];
	(pc) =	sbr.rel @p0 .LBB2_2-.Ltmp2, $4  }
0x1f0: {  	v23 =	vld [tilespmem:$0x1FF70]  }
0x1f1: {  	v63 =	vld [tilespmem:$0x1FEE0]  }
0x1f2: {  	[sflag:s10] =	ssyncset.done $0x0;
	v45 =	vld [tilespmem:$0x1FEB0]  }
0x1f3: {  	v0 =	vlaneseq.u32;
	v47 =	vld [tilespmem:$0x1FEC0];
	[sflag:s10] =	ssyncadd.s32 $0xFFFF9C00  }
0x1f4: {  	s1 =	rddreg [dreg:$0x5]  }
0x1f5: {  	s0 =	rddreg [dreg:$0x4];
	s1 =	sadd.s32 $0x1, s1  }
0x1f6: {  	p0 =	sne.s32 s1, s0  }
.Ltmp3:
0x1f7: {  	_ = 	snop;
	(pc) =	sbr.rel @p0 .LBB2_1-.Ltmp3, $1  }
0x1f8: {  	_ =	sdelay $0x3  }
0x1f9: {  	_ =	sfence.sel $0x180000  }
0x1fa: {  	[bflag:$0x0] =	sbarrier.arrive $0xFFFF  }
0x1fb: {  	_ =	strace $0x90000047  }
0x1fc: {  	s0 =	stileid.u32;
	[bflag:$0x2] =	sbarrier.arrive $0xFFFF  }
0x1fd: {  	p0 =	sne.s32 s0, $0x0;
	s0 =	rddreg [dreg:$0x3]  }
0x1fe: {  	s0 =	sadd.s32 @!p0 $0x100000, s0  }
0x1ff: {  	[sflag:s0] =	ssyncadd.tile.s32 @!p0 $0x1;
	_ =	shalt  }
.Lfunc_end2:
_tile_overlayer_lowered:
.L_overlay_start_2:
0x200: {  	(tag) =	ssettag $0x2  }
0x201: {  	s0 =	rddreg [dreg:$0x0];
	s2 =	stileid.u32  }
0x202: {  	s1 =	rddreg [dreg:$0x1];
	p0 =	sne.s32 s2, $0x0  }
0x203: {  	s3 =	rddreg [dreg:$0x2];
	[bflag:$0x3] =	sbarrier.arrive $0xFFFF;
	s2 =	simm.s32 @!p0 $0x1C03  }
0x204: {  	[timem:s3], [sflag:s2] =	dma.local @!p0 [hbm:s0], s1  }
0x205: {  	s0 =	simm.s32 @!p0 $0x3  }
0x206: {  	_ =	swait.ge @!p0 [sflag:s0], s1  }
0x207: {  	s1 =	ssub.s32 @!p0 $0x0, s1;
	[sflag:s0] =	ssyncset.done @!p0 $0x0  }
0x208: {  	[sflag:s0] =	ssyncadd.s32 @!p0 s1  }
0x209: {  	[bflag:$0x3] =	sbarrier.arrive $0xFFFF  }
0x20a: {  	_ =	shalt  }

</sc_bundles>
